<compile_context>
chip_gen: v7x
topology: tpu7x:2x2x1
jax: 0.10.2.dev20260603
libtpu: 0.0.44.dev20260713+nightly
codegen_flags: <defaults>
</compile_context>

<pallas_src>
import functools

import jax
import jax.numpy as jnp
from jax import lax
from jax.experimental import pallas as pl
from jax.experimental.pallas import tpu as pltpu
from jax.experimental.pallas import tpu_sc as plsc

HIDDEN = 1024
ROWS, COLS = 4, 2048
BATCH = ROWS * COLS

_info = plsc.get_sparse_core_info()
NC, NS = _info.num_cores, _info.num_subcores
NW = NC * NS
B_PER_W = BATCH // NW
W_PER_ROW = COLS // B_PER_W

CHUNKS = (16,) * 16
OFFS = tuple(sum(CHUNKS[:i]) for i in range(len(CHUNKS)))
MAXCH = max(CHUNKS)
NBUF = 6

_mesh = plsc.VectorSubcoreMesh(core_axis_name="c", subcore_axis_name="s")


@functools.partial(
    pl.kernel,
    mesh=_mesh,
    out_type=jax.ShapeDtypeStruct((ROWS, COLS, HIDDEN), jnp.float32),
    scratch_types=(
        [pltpu.VMEM((B_PER_W,), jnp.int32)]
        + [pltpu.VMEM((MAXCH, HIDDEN), jnp.float32)] * NBUF
        + [pltpu.SemaphoreType.DMA] * (2 * NBUF)
    ),
)
def _sc_gather(idx_hbm, table_hbm, out_hbm, idx_v, *rest):
    bufs = rest[:NBUF]
    gsems = rest[NBUF:2 * NBUF]
    osems = rest[2 * NBUF:]
    wid = lax.axis_index("s") * NC + lax.axis_index("c")
    row = wid // W_PER_ROW
    col = (wid % W_PER_ROW) * B_PER_W

    pltpu.sync_copy(idx_hbm.at[row, pl.ds(col, B_PER_W)], idx_v)

    def start_gather(g):
        b = g % NBUF
        ch = CHUNKS[g]
        return pltpu.async_copy(
            table_hbm.at[idx_v.at[pl.ds(OFFS[g], ch)]],
            bufs[b].at[pl.ds(0, ch)], gsems[b])

    nch = len(CHUNKS)
    gat = [None] * NBUF
    outs = [None] * NBUF
    for j in range(min(NBUF, nch)):
        gat[j] = start_gather(j)
    sched = None
    for g in range(nch):
        b = g % NBUF
        if sched is not None:
            sb, sg = sched
            outs[sb].wait()
            gat[sb] = start_gather(sg)
            outs[sb] = None
            sched = None
        gat[b].wait()
        ch = CHUNKS[g]
        outs[b] = pltpu.async_copy(
            bufs[b].at[pl.ds(0, ch)],
            out_hbm.at[row, pl.ds(col + OFFS[g], ch)], osems[b])
        if g + NBUF < nch:
            sched = (b, g + NBUF)
    for o in outs:
        if o is not None:
            o.wait()


def kernel(input_ids, word_embeddings):
    return _sc_gather(input_ids.astype(jnp.int32), word_embeddings)

# --- scband reference (transcript-rebuilt; emitter-appended) ---
"""Pipeline reference for scband-falcon-begin-43052752175606 (READ-ONLY COPY).

The authoritative reference and input builder live on the scoring server;
editing this copy changes nothing except your own understanding.
"""

import jax, jax.numpy as jnp
import numpy as np

VOCAB_SIZE = 100000
HIDDEN_SIZE = 1024

def setup_inputs(seed: int = 0) -> dict:
    key = jax.random.key(seed)
    k_ids, k_emb = jax.random.split(key)
    input_ids = jax.random.randint(k_ids, (4, 2048), 0, VOCAB_SIZE, dtype=jnp.int64 if jax.config.jax_enable_x64 else jnp.int32)
    word_embeddings = jax.random.normal(k_emb, (VOCAB_SIZE, HIDDEN_SIZE), dtype=jnp.float32) * 0.02
    return {"input_ids": input_ids, "word_embeddings": word_embeddings}

def reference(input_ids, word_embeddings):
    # nn.Embedding forward: row gather from embedding table
    return jnp.take(word_embeddings, input_ids, axis=0)

if __name__ == "__main__":
    import jax
    _d = setup_inputs()
    print(jax.jit(kernel)(*tuple(_d.values())))

</pallas_src>

<mosaic_0001>
#map = affine_map<(d0, d1) -> (0, 0)>
#map1 = affine_map<(d0, d1) -> (0, 0, 0)>
module attributes {stable_mosaic.version = 14 : i64} {
  func.func @_sc_gather(%arg0: i32, %arg1: i32, %arg2: memref<4x2048xi32, #tpu.memory_space<hbm>>, %arg3: memref<100000x1024xf32, #tpu.memory_space<hbm>>, %arg4: memref<4x2048x1024xf32, #tpu.memory_space<hbm>>, %arg5: memref<256xi32, #tpu.memory_space<vmem>>, %arg6: memref<16x1024xf32, #tpu.memory_space<vmem>>, %arg7: memref<16x1024xf32, #tpu.memory_space<vmem>>, %arg8: memref<16x1024xf32, #tpu.memory_space<vmem>>, %arg9: memref<16x1024xf32, #tpu.memory_space<vmem>>, %arg10: memref<16x1024xf32, #tpu.memory_space<vmem>>, %arg11: memref<16x1024xf32, #tpu.memory_space<vmem>>, %arg12: memref<!tpu.dma_semaphore, #tpu.memory_space<semaphore_mem>>, %arg13: memref<!tpu.dma_semaphore, #tpu.memory_space<semaphore_mem>>, %arg14: memref<!tpu.dma_semaphore, #tpu.memory_space<semaphore_mem>>, %arg15: memref<!tpu.dma_semaphore, #tpu.memory_space<semaphore_mem>>, %arg16: memref<!tpu.dma_semaphore, #tpu.memory_space<semaphore_mem>>, %arg17: memref<!tpu.dma_semaphore, #tpu.memory_space<semaphore_mem>>, %arg18: memref<!tpu.dma_semaphore, #tpu.memory_space<semaphore_mem>>, %arg19: memref<!tpu.dma_semaphore, #tpu.memory_space<semaphore_mem>>, %arg20: memref<!tpu.dma_semaphore, #tpu.memory_space<semaphore_mem>>, %arg21: memref<!tpu.dma_semaphore, #tpu.memory_space<semaphore_mem>>, %arg22: memref<!tpu.dma_semaphore, #tpu.memory_space<semaphore_mem>>, %arg23: memref<!tpu.dma_semaphore, #tpu.memory_space<semaphore_mem>>) attributes {dimension_semantics = [#tpu.dimension_semantics<core_parallel>, #tpu.dimension_semantics<subcore_parallel>], iteration_bounds = array<i64: 2, 16>, scalar_prefetch = 0 : i64, scratch_operands = 19 : i64, tpu.core_type = #tpu.core_type<sc_vector_subcore>, window_params = [{transform_indices = #map}, {transform_indices = #map}, {transform_indices = #map1}]} {
    %mul3A = arith.constant 2 : i32
    %mul3A_0 = arith.muli %arg1, %mul3A : i32
    %add3A = arith.addi %mul3A_0, %arg0 : i32
    %jit3A = arith.constant 8 : i32
    %div3A = arith.divsi %add3A, %jit3A : i32
    %sign3A = arith.constant 0 : i32
    %sign3A_1 = arith.cmpi sgt, %add3A, %sign3A : i32
    %sign3A_2 = arith.extui %sign3A_1 : i1 to i32
    %sign3A_3 = arith.constant 0 : i32
    %sign3A_4 = arith.cmpi slt, %add3A, %sign3A_3 : i32
    %sign3A_5 = arith.extui %sign3A_4 : i1 to i32
    %sign3A_6 = arith.subi %sign3A_2, %sign3A_5 : i32
    %sign3A_7 = arith.constant 0 : i32
    %sign3A_8 = arith.cmpi sgt, %jit3A, %sign3A_7 : i32
    %sign3A_9 = arith.extui %sign3A_8 : i1 to i32
    %sign3A_10 = arith.constant 0 : i32
    %sign3A_11 = arith.cmpi slt, %jit3A, %sign3A_10 : i32
    %sign3A_12 = arith.extui %sign3A_11 : i1 to i32
    %sign3A_13 = arith.subi %sign3A_9, %sign3A_12 : i32
    %ne3A = arith.cmpi ne, %sign3A_6, %sign3A_13 : i32
    %rem3A = arith.remsi %add3A, %jit3A : i32
    %ne3A_14 = arith.constant 0 : i32
    %ne3A_15 = arith.cmpi ne, %rem3A, %ne3A_14 : i32
    %and3A = arith.andi %ne3A, %ne3A_15 : i1
    %sub3A = arith.constant 1 : i32
    %sub3A_16 = arith.subi %div3A, %sub3A : i32
    %select_n3A = arith.select %and3A, %sub3A_16, %div3A : i32
    %jit3A_17 = arith.constant 8 : i32
    %eq3A = arith.constant 0 : i32
    %eq3A_18 = arith.cmpi eq, %jit3A_17, %eq3A : i32
    %jit3A_19 = arith.constant 1 : i32
    %select_n3A_20 = arith.select %eq3A_18, %jit3A_19, %jit3A_17 : i32
    %rem3A_21 = arith.remsi %add3A, %select_n3A_20 : i32
    %ne3A_22 = arith.constant 0 : i32
    %ne3A_23 = arith.cmpi ne, %rem3A_21, %ne3A_22 : i32
    %lt3A = arith.constant 0 : i32
    %lt3A_24 = arith.cmpi slt, %rem3A_21, %lt3A : i32
    %lt3A_25 = arith.constant 0 : i32
    %lt3A_26 = arith.cmpi slt, %select_n3A_20, %lt3A_25 : i32
    %ne3A_27 = arith.xori %lt3A_24, %lt3A_26 : i1
    %and3A_28 = arith.andi %ne3A_27, %ne3A_23 : i1
    %add3A_29 = arith.addi %rem3A_21, %select_n3A_20 : i32
    %select_n3A_30 = arith.select %and3A_28, %add3A_29, %rem3A_21 : i32
    %mul3A_31 = arith.constant 256 : i32
    %mul3A_32 = arith.muli %select_n3A_30, %mul3A_31 : i32
    "tpu.region"() ({
      %run_scoped3A = tpu.sem_alloc : memref<!tpu.dma_semaphore, #tpu.memory_space<semaphore_mem>>
      %dma_start3A_703 = tpu.memref_slice %arg2[%select_n3A, %mul3A_32] : memref<4x2048xi32, #tpu.memory_space<hbm>> -> memref<1x256xi32, #tpu.memory_space<hbm>>
      %dma_start3A_704 = tpu.memref_squeeze %dma_start3A_703 : memref<1x256xi32, #tpu.memory_space<hbm>> -> memref<256xi32, #tpu.memory_space<hbm>>
      %dma_start3A_705 = tpu.memref_slice %arg2[%select_n3A, %mul3A_32] : memref<4x2048xi32, #tpu.memory_space<hbm>> -> memref<1x256xi32, #tpu.memory_space<hbm>>
      %dma_start3A_706 = tpu.memref_squeeze %dma_start3A_705 : memref<1x256xi32, #tpu.memory_space<hbm>> -> memref<256xi32, #tpu.memory_space<hbm>>
      tpu.enqueue_dma source(%dma_start3A_706 : memref<256xi32, #tpu.memory_space<hbm>>) target(%arg5 : memref<256xi32, #tpu.memory_space<vmem>>) target_semaphore(%run_scoped3A : memref<!tpu.dma_semaphore, #tpu.memory_space<semaphore_mem>>)
      %dma_wait3A_707 = tpu.memref_slice %arg2[%select_n3A, %mul3A_32] : memref<4x2048xi32, #tpu.memory_space<hbm>> -> memref<1x256xi32, #tpu.memory_space<hbm>>
      %dma_wait3A_708 = tpu.memref_squeeze %dma_wait3A_707 : memref<1x256xi32, #tpu.memory_space<hbm>> -> memref<256xi32, #tpu.memory_space<hbm>>
      %dma_wait3A_709 = tpu.memref_slice %arg2[%select_n3A, %mul3A_32] : memref<4x2048xi32, #tpu.memory_space<hbm>> -> memref<1x256xi32, #tpu.memory_space<hbm>>
      %dma_wait3A_710 = tpu.memref_squeeze %dma_wait3A_709 : memref<1x256xi32, #tpu.memory_space<hbm>> -> memref<256xi32, #tpu.memory_space<hbm>>
      tpu.wait_dma2 semaphore(%run_scoped3A : memref<!tpu.dma_semaphore, #tpu.memory_space<semaphore_mem>>) src(%dma_wait3A_710 : memref<256xi32, #tpu.memory_space<hbm>>) dst(%arg5 : memref<256xi32, #tpu.memory_space<vmem>>)
      tpu.yield
    }) : () -> ()
    %dma_start3A = arith.constant 0 : i32
    %dma_start3A_33 = arith.constant 0 : i32
    %dma_start3A_34 = tpu.memref_slice %arg6[%dma_start3A, %dma_start3A_33] : memref<16x1024xf32, #tpu.memory_space<vmem>> -> memref<16x1024xf32, #tpu.memory_space<vmem>>
    %dma_start3A_35 = arith.constant 0 : i32
    %dma_start3A_36 = tpu.memref_slice %arg5[%dma_start3A_35] : memref<256xi32, #tpu.memory_space<vmem>> -> memref<16xi32, #tpu.memory_space<vmem>>
    %dma_start3A_37 = arith.constant 0 : i32
    %dma_start3A_38 = arith.constant 0 : i32
    %dma_start3A_39 = tpu.memref_slice %arg3[%dma_start3A_37, %dma_start3A_38] : memref<100000x1024xf32, #tpu.memory_space<hbm>> -> memref<100000x1024xf32, #tpu.memory_space<hbm>>
    tpu.enqueue_indirect_dma source(%dma_start3A_39 : memref<100000x1024xf32, #tpu.memory_space<hbm>>) target(%dma_start3A_34 : memref<16x1024xf32, #tpu.memory_space<vmem>>) offsets(%dma_start3A_36 : memref<16xi32, #tpu.memory_space<vmem>>) semaphore(%arg12 : memref<!tpu.dma_semaphore, #tpu.memory_space<semaphore_mem>>)
    %dma_start3A_40 = arith.constant 0 : i32
    %dma_start3A_41 = arith.constant 0 : i32
    %dma_start3A_42 = tpu.memref_slice %arg7[%dma_start3A_40, %dma_start3A_41] : memref<16x1024xf32, #tpu.memory_space<vmem>> -> memref<16x1024xf32, #tpu.memory_space<vmem>>
    %dma_start3A_43 = arith.constant 16 : i32
    %dma_start3A_44 = tpu.memref_slice %arg5[%dma_start3A_43] : memref<256xi32, #tpu.memory_space<vmem>> -> memref<16xi32, #tpu.memory_space<vmem>>
    %dma_start3A_45 = arith.constant 0 : i32
    %dma_start3A_46 = arith.constant 0 : i32
    %dma_start3A_47 = tpu.memref_slice %arg3[%dma_start3A_45, %dma_start3A_46] : memref<100000x1024xf32, #tpu.memory_space<hbm>> -> memref<100000x1024xf32, #tpu.memory_space<hbm>>
    tpu.enqueue_indirect_dma source(%dma_start3A_47 : memref<100000x1024xf32, #tpu.memory_space<hbm>>) target(%dma_start3A_42 : memref<16x1024xf32, #tpu.memory_space<vmem>>) offsets(%dma_start3A_44 : memref<16xi32, #tpu.memory_space<vmem>>) semaphore(%arg13 : memref<!tpu.dma_semaphore, #tpu.memory_space<semaphore_mem>>)
    %dma_start3A_48 = arith.constant 0 : i32
    %dma_start3A_49 = arith.constant 0 : i32
    %dma_start3A_50 = tpu.memref_slice %arg8[%dma_start3A_48, %dma_start3A_49] : memref<16x1024xf32, #tpu.memory_space<vmem>> -> memref<16x1024xf32, #tpu.memory_space<vmem>>
    %dma_start3A_51 = arith.constant 32 : i32
    %dma_start3A_52 = tpu.memref_slice %arg5[%dma_start3A_51] : memref<256xi32, #tpu.memory_space<vmem>> -> memref<16xi32, #tpu.memory_space<vmem>>
    %dma_start3A_53 = arith.constant 0 : i32
    %dma_start3A_54 = arith.constant 0 : i32
    %dma_start3A_55 = tpu.memref_slice %arg3[%dma_start3A_53, %dma_start3A_54] : memref<100000x1024xf32, #tpu.memory_space<hbm>> -> memref<100000x1024xf32, #tpu.memory_space<hbm>>
    tpu.enqueue_indirect_dma source(%dma_start3A_55 : memref<100000x1024xf32, #tpu.memory_space<hbm>>) target(%dma_start3A_50 : memref<16x1024xf32, #tpu.memory_space<vmem>>) offsets(%dma_start3A_52 : memref<16xi32, #tpu.memory_space<vmem>>) semaphore(%arg14 : memref<!tpu.dma_semaphore, #tpu.memory_space<semaphore_mem>>)
    %dma_start3A_56 = arith.constant 0 : i32
    %dma_start3A_57 = arith.constant 0 : i32
    %dma_start3A_58 = tpu.memref_slice %arg9[%dma_start3A_56, %dma_start3A_57] : memref<16x1024xf32, #tpu.memory_space<vmem>> -> memref<16x1024xf32, #tpu.memory_space<vmem>>
    %dma_start3A_59 = arith.constant 48 : i32
    %dma_start3A_60 = tpu.memref_slice %arg5[%dma_start3A_59] : memref<256xi32, #tpu.memory_space<vmem>> -> memref<16xi32, #tpu.memory_space<vmem>>
    %dma_start3A_61 = arith.constant 0 : i32
    %dma_start3A_62 = arith.constant 0 : i32
    %dma_start3A_63 = tpu.memref_slice %arg3[%dma_start3A_61, %dma_start3A_62] : memref<100000x1024xf32, #tpu.memory_space<hbm>> -> memref<100000x1024xf32, #tpu.memory_space<hbm>>
    tpu.enqueue_indirect_dma source(%dma_start3A_63 : memref<100000x1024xf32, #tpu.memory_space<hbm>>) target(%dma_start3A_58 : memref<16x1024xf32, #tpu.memory_space<vmem>>) offsets(%dma_start3A_60 : memref<16xi32, #tpu.memory_space<vmem>>) semaphore(%arg15 : memref<!tpu.dma_semaphore, #tpu.memory_space<semaphore_mem>>)
    %dma_start3A_64 = arith.constant 0 : i32
    %dma_start3A_65 = arith.constant 0 : i32
    %dma_start3A_66 = tpu.memref_slice %arg10[%dma_start3A_64, %dma_start3A_65] : memref<16x1024xf32, #tpu.memory_space<vmem>> -> memref<16x1024xf32, #tpu.memory_space<vmem>>
    %dma_start3A_67 = arith.constant 64 : i32
    %dma_start3A_68 = tpu.memref_slice %arg5[%dma_start3A_67] : memref<256xi32, #tpu.memory_space<vmem>> -> memref<16xi32, #tpu.memory_space<vmem>>
    %dma_start3A_69 = arith.constant 0 : i32
    %dma_start3A_70 = arith.constant 0 : i32
    %dma_start3A_71 = tpu.memref_slice %arg3[%dma_start3A_69, %dma_start3A_70] : memref<100000x1024xf32, #tpu.memory_space<hbm>> -> memref<100000x1024xf32, #tpu.memory_space<hbm>>
    tpu.enqueue_indirect_dma source(%dma_start3A_71 : memref<100000x1024xf32, #tpu.memory_space<hbm>>) target(%dma_start3A_66 : memref<16x1024xf32, #tpu.memory_space<vmem>>) offsets(%dma_start3A_68 : memref<16xi32, #tpu.memory_space<vmem>>) semaphore(%arg16 : memref<!tpu.dma_semaphore, #tpu.memory_space<semaphore_mem>>)
    %dma_start3A_72 = arith.constant 0 : i32
    %dma_start3A_73 = arith.constant 0 : i32
    %dma_start3A_74 = tpu.memref_slice %arg11[%dma_start3A_72, %dma_start3A_73] : memref<16x1024xf32, #tpu.memory_space<vmem>> -> memref<16x1024xf32, #tpu.memory_space<vmem>>
    %dma_start3A_75 = arith.constant 80 : i32
    %dma_start3A_76 = tpu.memref_slice %arg5[%dma_start3A_75] : memref<256xi32, #tpu.memory_space<vmem>> -> memref<16xi32, #tpu.memory_space<vmem>>
    %dma_start3A_77 = arith.constant 0 : i32
    %dma_start3A_78 = arith.constant 0 : i32
    %dma_start3A_79 = tpu.memref_slice %arg3[%dma_start3A_77, %dma_start3A_78] : memref<100000x1024xf32, #tpu.memory_space<hbm>> -> memref<100000x1024xf32, #tpu.memory_space<hbm>>
    tpu.enqueue_indirect_dma source(%dma_start3A_79 : memref<100000x1024xf32, #tpu.memory_space<hbm>>) target(%dma_start3A_74 : memref<16x1024xf32, #tpu.memory_space<vmem>>) offsets(%dma_start3A_76 : memref<16xi32, #tpu.memory_space<vmem>>) semaphore(%arg17 : memref<!tpu.dma_semaphore, #tpu.memory_space<semaphore_mem>>)
    %dma_wait3A = arith.constant 0 : i32
    %dma_wait3A_80 = arith.constant 0 : i32
    %dma_wait3A_81 = tpu.memref_slice %arg6[%dma_wait3A, %dma_wait3A_80] : memref<16x1024xf32, #tpu.memory_space<vmem>> -> memref<16x1024xf32, #tpu.memory_space<vmem>>
    %dma_wait3A_82 = arith.constant 0 : i32
    %dma_wait3A_83 = tpu.memref_slice %arg5[%dma_wait3A_82] : memref<256xi32, #tpu.memory_space<vmem>> -> memref<16xi32, #tpu.memory_space<vmem>>
    %dma_wait3A_84 = arith.constant 0 : i32
    %dma_wait3A_85 = arith.constant 0 : i32
    %dma_wait3A_86 = tpu.memref_slice %arg3[%dma_wait3A_84, %dma_wait3A_85] : memref<100000x1024xf32, #tpu.memory_space<hbm>> -> memref<100000x1024xf32, #tpu.memory_space<hbm>>
    tpu.wait_indirect_dma semaphore(%arg12 : memref<!tpu.dma_semaphore, #tpu.memory_space<semaphore_mem>>) src(%dma_wait3A_86 : memref<100000x1024xf32, #tpu.memory_space<hbm>>) dst(%dma_wait3A_81 : memref<16x1024xf32, #tpu.memory_space<vmem>>)
    %add3A_87 = arith.constant 0 : i32
    %add3A_88 = arith.addi %mul3A_32, %add3A_87 : i32
    %dma_start3A_89 = arith.constant 0 : i32
    %dma_start3A_90 = arith.constant 0 : i32
    %dma_start3A_91 = tpu.memref_slice %arg6[%dma_start3A_89, %dma_start3A_90] : memref<16x1024xf32, #tpu.memory_space<vmem>> -> memref<16x1024xf32, #tpu.memory_space<vmem>>
    %dma_start3A_92 = arith.constant 0 : i32
    %dma_start3A_93 = tpu.memref_slice %arg4[%select_n3A, %add3A_88, %dma_start3A_92] : memref<4x2048x1024xf32, #tpu.memory_space<hbm>> -> memref<1x16x1024xf32, #tpu.memory_space<hbm>>
    %dma_start3A_94 = tpu.memref_squeeze %dma_start3A_93 : memref<1x16x1024xf32, #tpu.memory_space<hbm>> -> memref<16x1024xf32, #tpu.memory_space<hbm>>
    %dma_start3A_95 = arith.constant 0 : i32
    %dma_start3A_96 = tpu.memref_slice %arg4[%select_n3A, %add3A_88, %dma_start3A_95] : memref<4x2048x1024xf32, #tpu.memory_space<hbm>> -> memref<1x16x1024xf32, #tpu.memory_space<hbm>>
    %dma_start3A_97 = tpu.memref_squeeze %dma_start3A_96 : memref<1x16x1024xf32, #tpu.memory_space<hbm>> -> memref<16x1024xf32, #tpu.memory_space<hbm>>
    %dma_start3A_98 = arith.constant 0 : i32
    %dma_start3A_99 = arith.constant 0 : i32
    %dma_start3A_100 = tpu.memref_slice %arg6[%dma_start3A_98, %dma_start3A_99] : memref<16x1024xf32, #tpu.memory_space<vmem>> -> memref<16x1024xf32, #tpu.memory_space<vmem>>
    tpu.enqueue_dma source(%dma_start3A_100 : memref<16x1024xf32, #tpu.memory_space<vmem>>) target(%dma_start3A_97 : memref<16x1024xf32, #tpu.memory_space<hbm>>) target_semaphore(%arg18 : memref<!tpu.dma_semaphore, #tpu.memory_space<semaphore_mem>>)
    %dma_wait3A_101 = arith.constant 0 : i32
    %dma_wait3A_102 = arith.constant 0 : i32
    %dma_wait3A_103 = tpu.memref_slice %arg6[%dma_wait3A_101, %dma_wait3A_102] : memref<16x1024xf32, #tpu.memory_space<vmem>> -> memref<16x1024xf32, #tpu.memory_space<vmem>>
    %dma_wait3A_104 = arith.constant 0 : i32
    %dma_wait3A_105 = tpu.memref_slice %arg4[%select_n3A, %add3A_88, %dma_wait3A_104] : memref<4x2048x1024xf32, #tpu.memory_space<hbm>> -> memref<1x16x1024xf32, #tpu.memory_space<hbm>>
    %dma_wait3A_106 = tpu.memref_squeeze %dma_wait3A_105 : memref<1x16x1024xf32, #tpu.memory_space<hbm>> -> memref<16x1024xf32, #tpu.memory_space<hbm>>
    %dma_wait3A_107 = arith.constant 0 : i32
    %dma_wait3A_108 = tpu.memref_slice %arg4[%select_n3A, %add3A_88, %dma_wait3A_107] : memref<4x2048x1024xf32, #tpu.memory_space<hbm>> -> memref<1x16x1024xf32, #tpu.memory_space<hbm>>
    %dma_wait3A_109 = tpu.memref_squeeze %dma_wait3A_108 : memref<1x16x1024xf32, #tpu.memory_space<hbm>> -> memref<16x1024xf32, #tpu.memory_space<hbm>>
    %dma_wait3A_110 = arith.constant 0 : i32
    %dma_wait3A_111 = arith.constant 0 : i32
    %dma_wait3A_112 = tpu.memref_slice %arg6[%dma_wait3A_110, %dma_wait3A_111] : memref<16x1024xf32, #tpu.memory_space<vmem>> -> memref<16x1024xf32, #tpu.memory_space<vmem>>
    tpu.wait_dma2 semaphore(%arg18 : memref<!tpu.dma_semaphore, #tpu.memory_space<semaphore_mem>>) src(%dma_wait3A_112 : memref<16x1024xf32, #tpu.memory_space<vmem>>) dst(%dma_wait3A_109 : memref<16x1024xf32, #tpu.memory_space<hbm>>)
    %dma_start3A_113 = arith.constant 0 : i32
    %dma_start3A_114 = arith.constant 0 : i32
    %dma_start3A_115 = tpu.memref_slice %arg6[%dma_start3A_113, %dma_start3A_114] : memref<16x1024xf32, #tpu.memory_space<vmem>> -> memref<16x1024xf32, #tpu.memory_space<vmem>>
    %dma_start3A_116 = arith.constant 96 : i32
    %dma_start3A_117 = tpu.memref_slice %arg5[%dma_start3A_116] : memref<256xi32, #tpu.memory_space<vmem>> -> memref<16xi32, #tpu.memory_space<vmem>>
    %dma_start3A_118 = arith.constant 0 : i32
    %dma_start3A_119 = arith.constant 0 : i32
    %dma_start3A_120 = tpu.memref_slice %arg3[%dma_start3A_118, %dma_start3A_119] : memref<100000x1024xf32, #tpu.memory_space<hbm>> -> memref<100000x1024xf32, #tpu.memory_space<hbm>>
    tpu.enqueue_indirect_dma source(%dma_start3A_120 : memref<100000x1024xf32, #tpu.memory_space<hbm>>) target(%dma_start3A_115 : memref<16x1024xf32, #tpu.memory_space<vmem>>) offsets(%dma_start3A_117 : memref<16xi32, #tpu.memory_space<vmem>>) semaphore(%arg12 : memref<!tpu.dma_semaphore, #tpu.memory_space<semaphore_mem>>)
    %dma_wait3A_121 = arith.constant 0 : i32
    %dma_wait3A_122 = arith.constant 0 : i32
    %dma_wait3A_123 = tpu.memref_slice %arg7[%dma_wait3A_121, %dma_wait3A_122] : memref<16x1024xf32, #tpu.memory_space<vmem>> -> memref<16x1024xf32, #tpu.memory_space<vmem>>
    %dma_wait3A_124 = arith.constant 16 : i32
    %dma_wait3A_125 = tpu.memref_slice %arg5[%dma_wait3A_124] : memref<256xi32, #tpu.memory_space<vmem>> -> memref<16xi32, #tpu.memory_space<vmem>>
    %dma_wait3A_126 = arith.constant 0 : i32
    %dma_wait3A_127 = arith.constant 0 : i32
    %dma_wait3A_128 = tpu.memref_slice %arg3[%dma_wait3A_126, %dma_wait3A_127] : memref<100000x1024xf32, #tpu.memory_space<hbm>> -> memref<100000x1024xf32, #tpu.memory_space<hbm>>
    tpu.wait_indirect_dma semaphore(%arg13 : memref<!tpu.dma_semaphore, #tpu.memory_space<semaphore_mem>>) src(%dma_wait3A_128 : memref<100000x1024xf32, #tpu.memory_space<hbm>>) dst(%dma_wait3A_123 : memref<16x1024xf32, #tpu.memory_space<vmem>>)
    %add3A_129 = arith.constant 16 : i32
    %add3A_130 = arith.addi %mul3A_32, %add3A_129 : i32
    %dma_start3A_131 = arith.constant 0 : i32
    %dma_start3A_132 = arith.constant 0 : i32
    %dma_start3A_133 = tpu.memref_slice %arg7[%dma_start3A_131, %dma_start3A_132] : memref<16x1024xf32, #tpu.memory_space<vmem>> -> memref<16x1024xf32, #tpu.memory_space<vmem>>
    %dma_start3A_134 = arith.constant 0 : i32
    %dma_start3A_135 = tpu.memref_slice %arg4[%select_n3A, %add3A_130, %dma_start3A_134] : memref<4x2048x1024xf32, #tpu.memory_space<hbm>> -> memref<1x16x1024xf32, #tpu.memory_space<hbm>>
    %dma_start3A_136 = tpu.memref_squeeze %dma_start3A_135 : memref<1x16x1024xf32, #tpu.memory_space<hbm>> -> memref<16x1024xf32, #tpu.memory_space<hbm>>
    %dma_start3A_137 = arith.constant 0 : i32
    %dma_start3A_138 = tpu.memref_slice %arg4[%select_n3A, %add3A_130, %dma_start3A_137] : memref<4x2048x1024xf32, #tpu.memory_space<hbm>> -> memref<1x16x1024xf32, #tpu.memory_space<hbm>>
    %dma_start3A_139 = tpu.memref_squeeze %dma_start3A_138 : memref<1x16x1024xf32, #tpu.memory_space<hbm>> -> memref<16x1024xf32, #tpu.memory_space<hbm>>
    %dma_start3A_140 = arith.constant 0 : i32
    %dma_start3A_141 = arith.constant 0 : i32
    %dma_start3A_142 = tpu.memref_slice %arg7[%dma_start3A_140, %dma_start3A_141] : memref<16x1024xf32, #tpu.memory_space<vmem>> -> memref<16x1024xf32, #tpu.memory_space<vmem>>
    tpu.enqueue_dma source(%dma_start3A_142 : memref<16x1024xf32, #tpu.memory_space<vmem>>) target(%dma_start3A_139 : memref<16x1024xf32, #tpu.memory_space<hbm>>) target_semaphore(%arg19 : memref<!tpu.dma_semaphore, #tpu.memory_space<semaphore_mem>>)
    %dma_wait3A_143 = arith.constant 0 : i32
    %dma_wait3A_144 = arith.constant 0 : i32
    %dma_wait3A_145 = tpu.memref_slice %arg7[%dma_wait3A_143, %dma_wait3A_144] : memref<16x1024xf32, #tpu.memory_space<vmem>> -> memref<16x1024xf32, #tpu.memory_space<vmem>>
    %dma_wait3A_146 = arith.constant 0 : i32
    %dma_wait3A_147 = tpu.memref_slice %arg4[%select_n3A, %add3A_130, %dma_wait3A_146] : memref<4x2048x1024xf32, #tpu.memory_space<hbm>> -> memref<1x16x1024xf32, #tpu.memory_space<hbm>>
    %dma_wait3A_148 = tpu.memref_squeeze %dma_wait3A_147 : memref<1x16x1024xf32, #tpu.memory_space<hbm>> -> memref<16x1024xf32, #tpu.memory_space<hbm>>
    %dma_wait3A_149 = arith.constant 0 : i32
    %dma_wait3A_150 = tpu.memref_slice %arg4[%select_n3A, %add3A_130, %dma_wait3A_149] : memref<4x2048x1024xf32, #tpu.memory_space<hbm>> -> memref<1x16x1024xf32, #tpu.memory_space<hbm>>
    %dma_wait3A_151 = tpu.memref_squeeze %dma_wait3A_150 : memref<1x16x1024xf32, #tpu.memory_space<hbm>> -> memref<16x1024xf32, #tpu.memory_space<hbm>>
    %dma_wait3A_152 = arith.constant 0 : i32
    %dma_wait3A_153 = arith.constant 0 : i32
    %dma_wait3A_154 = tpu.memref_slice %arg7[%dma_wait3A_152, %dma_wait3A_153] : memref<16x1024xf32, #tpu.memory_space<vmem>> -> memref<16x1024xf32, #tpu.memory_space<vmem>>
    tpu.wait_dma2 semaphore(%arg19 : memref<!tpu.dma_semaphore, #tpu.memory_space<semaphore_mem>>) src(%dma_wait3A_154 : memref<16x1024xf32, #tpu.memory_space<vmem>>) dst(%dma_wait3A_151 : memref<16x1024xf32, #tpu.memory_space<hbm>>)
    %dma_start3A_155 = arith.constant 0 : i32
    %dma_start3A_156 = arith.constant 0 : i32
    %dma_start3A_157 = tpu.memref_slice %arg7[%dma_start3A_155, %dma_start3A_156] : memref<16x1024xf32, #tpu.memory_space<vmem>> -> memref<16x1024xf32, #tpu.memory_space<vmem>>
    %dma_start3A_158 = arith.constant 112 : i32
    %dma_start3A_159 = tpu.memref_slice %arg5[%dma_start3A_158] : memref<256xi32, #tpu.memory_space<vmem>> -> memref<16xi32, #tpu.memory_space<vmem>>
    %dma_start3A_160 = arith.constant 0 : i32
    %dma_start3A_161 = arith.constant 0 : i32
    %dma_start3A_162 = tpu.memref_slice %arg3[%dma_start3A_160, %dma_start3A_161] : memref<100000x1024xf32, #tpu.memory_space<hbm>> -> memref<100000x1024xf32, #tpu.memory_space<hbm>>
    tpu.enqueue_indirect_dma source(%dma_start3A_162 : memref<100000x1024xf32, #tpu.memory_space<hbm>>) target(%dma_start3A_157 : memref<16x1024xf32, #tpu.memory_space<vmem>>) offsets(%dma_start3A_159 : memref<16xi32, #tpu.memory_space<vmem>>) semaphore(%arg13 : memref<!tpu.dma_semaphore, #tpu.memory_space<semaphore_mem>>)
    %dma_wait3A_163 = arith.constant 0 : i32
    %dma_wait3A_164 = arith.constant 0 : i32
    %dma_wait3A_165 = tpu.memref_slice %arg8[%dma_wait3A_163, %dma_wait3A_164] : memref<16x1024xf32, #tpu.memory_space<vmem>> -> memref<16x1024xf32, #tpu.memory_space<vmem>>
    %dma_wait3A_166 = arith.constant 32 : i32
    %dma_wait3A_167 = tpu.memref_slice %arg5[%dma_wait3A_166] : memref<256xi32, #tpu.memory_space<vmem>> -> memref<16xi32, #tpu.memory_space<vmem>>
    %dma_wait3A_168 = arith.constant 0 : i32
    %dma_wait3A_169 = arith.constant 0 : i32
    %dma_wait3A_170 = tpu.memref_slice %arg3[%dma_wait3A_168, %dma_wait3A_169] : memref<100000x1024xf32, #tpu.memory_space<hbm>> -> memref<100000x1024xf32, #tpu.memory_space<hbm>>
    tpu.wait_indirect_dma semaphore(%arg14 : memref<!tpu.dma_semaphore, #tpu.memory_space<semaphore_mem>>) src(%dma_wait3A_170 : memref<100000x1024xf32, #tpu.memory_space<hbm>>) dst(%dma_wait3A_165 : memref<16x1024xf32, #tpu.memory_space<vmem>>)
    %add3A_171 = arith.constant 32 : i32
    %add3A_172 = arith.addi %mul3A_32, %add3A_171 : i32
    %dma_start3A_173 = arith.constant 0 : i32
    %dma_start3A_174 = arith.constant 0 : i32
    %dma_start3A_175 = tpu.memref_slice %arg8[%dma_start3A_173, %dma_start3A_174] : memref<16x1024xf32, #tpu.memory_space<vmem>> -> memref<16x1024xf32, #tpu.memory_space<vmem>>
    %dma_start3A_176 = arith.constant 0 : i32
    %dma_start3A_177 = tpu.memref_slice %arg4[%select_n3A, %add3A_172, %dma_start3A_176] : memref<4x2048x1024xf32, #tpu.memory_space<hbm>> -> memref<1x16x1024xf32, #tpu.memory_space<hbm>>
    %dma_start3A_178 = tpu.memref_squeeze %dma_start3A_177 : memref<1x16x1024xf32, #tpu.memory_space<hbm>> -> memref<16x1024xf32, #tpu.memory_space<hbm>>
    %dma_start3A_179 = arith.constant 0 : i32
    %dma_start3A_180 = tpu.memref_slice %arg4[%select_n3A, %add3A_172, %dma_start3A_179] : memref<4x2048x1024xf32, #tpu.memory_space<hbm>> -> memref<1x16x1024xf32, #tpu.memory_space<hbm>>
    %dma_start3A_181 = tpu.memref_squeeze %dma_start3A_180 : memref<1x16x1024xf32, #tpu.memory_space<hbm>> -> memref<16x1024xf32, #tpu.memory_space<hbm>>
    %dma_start3A_182 = arith.constant 0 : i32
    %dma_start3A_183 = arith.constant 0 : i32
    %dma_start3A_184 = tpu.memref_slice %arg8[%dma_start3A_182, %dma_start3A_183] : memref<16x1024xf32, #tpu.memory_space<vmem>> -> memref<16x1024xf32, #tpu.memory_space<vmem>>
    tpu.enqueue_dma source(%dma_start3A_184 : memref<16x1024xf32, #tpu.memory_space<vmem>>) target(%dma_start3A_181 : memref<16x1024xf32, #tpu.memory_space<hbm>>) target_semaphore(%arg20 : memref<!tpu.dma_semaphore, #tpu.memory_space<semaphore_mem>>)
    %dma_wait3A_185 = arith.constant 0 : i32
    %dma_wait3A_186 = arith.constant 0 : i32
    %dma_wait3A_187 = tpu.memref_slice %arg8[%dma_wait3A_185, %dma_wait3A_186] : memref<16x1024xf32, #tpu.memory_space<vmem>> -> memref<16x1024xf32, #tpu.memory_space<vmem>>
    %dma_wait3A_188 = arith.constant 0 : i32
    %dma_wait3A_189 = tpu.memref_slice %arg4[%select_n3A, %add3A_172, %dma_wait3A_188] : memref<4x2048x1024xf32, #tpu.memory_space<hbm>> -> memref<1x16x1024xf32, #tpu.memory_space<hbm>>
    %dma_wait3A_190 = tpu.memref_squeeze %dma_wait3A_189 : memref<1x16x1024xf32, #tpu.memory_space<hbm>> -> memref<16x1024xf32, #tpu.memory_space<hbm>>
    %dma_wait3A_191 = arith.constant 0 : i32
    %dma_wait3A_192 = tpu.memref_slice %arg4[%select_n3A, %add3A_172, %dma_wait3A_191] : memref<4x2048x1024xf32, #tpu.memory_space<hbm>> -> memref<1x16x1024xf32, #tpu.memory_space<hbm>>
    %dma_wait3A_193 = tpu.memref_squeeze %dma_wait3A_192 : memref<1x16x1024xf32, #tpu.memory_space<hbm>> -> memref<16x1024xf32, #tpu.memory_space<hbm>>
    %dma_wait3A_194 = arith.constant 0 : i32
    %dma_wait3A_195 = arith.constant 0 : i32
    %dma_wait3A_196 = tpu.memref_slice %arg8[%dma_wait3A_194, %dma_wait3A_195] : memref<16x1024xf32, #tpu.memory_space<vmem>> -> memref<16x1024xf32, #tpu.memory_space<vmem>>
    tpu.wait_dma2 semaphore(%arg20 : memref<!tpu.dma_semaphore, #tpu.memory_space<semaphore_mem>>) src(%dma_wait3A_196 : memref<16x1024xf32, #tpu.memory_space<vmem>>) dst(%dma_wait3A_193 : memref<16x1024xf32, #tpu.memory_space<hbm>>)
    %dma_start3A_197 = arith.constant 0 : i32
    %dma_start3A_198 = arith.constant 0 : i32
    %dma_start3A_199 = tpu.memref_slice %arg8[%dma_start3A_197, %dma_start3A_198] : memref<16x1024xf32, #tpu.memory_space<vmem>> -> memref<16x1024xf32, #tpu.memory_space<vmem>>
    %dma_start3A_200 = arith.constant 128 : i32
    %dma_start3A_201 = tpu.memref_slice %arg5[%dma_start3A_200] : memref<256xi32, #tpu.memory_space<vmem>> -> memref<16xi32, #tpu.memory_space<vmem>>
    %dma_start3A_202 = arith.constant 0 : i32
    %dma_start3A_203 = arith.constant 0 : i32
    %dma_start3A_204 = tpu.memref_slice %arg3[%dma_start3A_202, %dma_start3A_203] : memref<100000x1024xf32, #tpu.memory_space<hbm>> -> memref<100000x1024xf32, #tpu.memory_space<hbm>>
    tpu.enqueue_indirect_dma source(%dma_start3A_204 : memref<100000x1024xf32, #tpu.memory_space<hbm>>) target(%dma_start3A_199 : memref<16x1024xf32, #tpu.memory_space<vmem>>) offsets(%dma_start3A_201 : memref<16xi32, #tpu.memory_space<vmem>>) semaphore(%arg14 : memref<!tpu.dma_semaphore, #tpu.memory_space<semaphore_mem>>)
    %dma_wait3A_205 = arith.constant 0 : i32
    %dma_wait3A_206 = arith.constant 0 : i32
    %dma_wait3A_207 = tpu.memref_slice %arg9[%dma_wait3A_205, %dma_wait3A_206] : memref<16x1024xf32, #tpu.memory_space<vmem>> -> memref<16x1024xf32, #tpu.memory_space<vmem>>
    %dma_wait3A_208 = arith.constant 48 : i32
    %dma_wait3A_209 = tpu.memref_slice %arg5[%dma_wait3A_208] : memref<256xi32, #tpu.memory_space<vmem>> -> memref<16xi32, #tpu.memory_space<vmem>>
    %dma_wait3A_210 = arith.constant 0 : i32
    %dma_wait3A_211 = arith.constant 0 : i32
    %dma_wait3A_212 = tpu.memref_slice %arg3[%dma_wait3A_210, %dma_wait3A_211] : memref<100000x1024xf32, #tpu.memory_space<hbm>> -> memref<100000x1024xf32, #tpu.memory_space<hbm>>
    tpu.wait_indirect_dma semaphore(%arg15 : memref<!tpu.dma_semaphore, #tpu.memory_space<semaphore_mem>>) src(%dma_wait3A_212 : memref<100000x1024xf32, #tpu.memory_space<hbm>>) dst(%dma_wait3A_207 : memref<16x1024xf32, #tpu.memory_space<vmem>>)
    %add3A_213 = arith.constant 48 : i32
    %add3A_214 = arith.addi %mul3A_32, %add3A_213 : i32
    %dma_start3A_215 = arith.constant 0 : i32
    %dma_start3A_216 = arith.constant 0 : i32
    %dma_start3A_217 = tpu.memref_slice %arg9[%dma_start3A_215, %dma_start3A_216] : memref<16x1024xf32, #tpu.memory_space<vmem>> -> memref<16x1024xf32, #tpu.memory_space<vmem>>
    %dma_start3A_218 = arith.constant 0 : i32
    %dma_start3A_219 = tpu.memref_slice %arg4[%select_n3A, %add3A_214, %dma_start3A_218] : memref<4x2048x1024xf32, #tpu.memory_space<hbm>> -> memref<1x16x1024xf32, #tpu.memory_space<hbm>>
    %dma_start3A_220 = tpu.memref_squeeze %dma_start3A_219 : memref<1x16x1024xf32, #tpu.memory_space<hbm>> -> memref<16x1024xf32, #tpu.memory_space<hbm>>
    %dma_start3A_221 = arith.constant 0 : i32
    %dma_start3A_222 = tpu.memref_slice %arg4[%select_n3A, %add3A_214, %dma_start3A_221] : memref<4x2048x1024xf32, #tpu.memory_space<hbm>> -> memref<1x16x1024xf32, #tpu.memory_space<hbm>>
    %dma_start3A_223 = tpu.memref_squeeze %dma_start3A_222 : memref<1x16x1024xf32, #tpu.memory_space<hbm>> -> memref<16x1024xf32, #tpu.memory_space<hbm>>
    %dma_start3A_224 = arith.constant 0 : i32
    %dma_start3A_225 = arith.constant 0 : i32
    %dma_start3A_226 = tpu.memref_slice %arg9[%dma_start3A_224, %dma_start3A_225] : memref<16x1024xf32, #tpu.memory_space<vmem>> -> memref<16x1024xf32, #tpu.memory_space<vmem>>
    tpu.enqueue_dma source(%dma_start3A_226 : memref<16x1024xf32, #tpu.memory_space<vmem>>) target(%dma_start3A_223 : memref<16x1024xf32, #tpu.memory_space<hbm>>) target_semaphore(%arg21 : memref<!tpu.dma_semaphore, #tpu.memory_space<semaphore_mem>>)
    %dma_wait3A_227 = arith.constant 0 : i32
    %dma_wait3A_228 = arith.constant 0 : i32
    %dma_wait3A_229 = tpu.memref_slice %arg9[%dma_wait3A_227, %dma_wait3A_228] : memref<16x1024xf32, #tpu.memory_space<vmem>> -> memref<16x1024xf32, #tpu.memory_space<vmem>>
    %dma_wait3A_230 = arith.constant 0 : i32
    %dma_wait3A_231 = tpu.memref_slice %arg4[%select_n3A, %add3A_214, %dma_wait3A_230] : memref<4x2048x1024xf32, #tpu.memory_space<hbm>> -> memref<1x16x1024xf32, #tpu.memory_space<hbm>>
    %dma_wait3A_232 = tpu.memref_squeeze %dma_wait3A_231 : memref<1x16x1024xf32, #tpu.memory_space<hbm>> -> memref<16x1024xf32, #tpu.memory_space<hbm>>
    %dma_wait3A_233 = arith.constant 0 : i32
    %dma_wait3A_234 = tpu.memref_slice %arg4[%select_n3A, %add3A_214, %dma_wait3A_233] : memref<4x2048x1024xf32, #tpu.memory_space<hbm>> -> memref<1x16x1024xf32, #tpu.memory_space<hbm>>
    %dma_wait3A_235 = tpu.memref_squeeze %dma_wait3A_234 : memref<1x16x1024xf32, #tpu.memory_space<hbm>> -> memref<16x1024xf32, #tpu.memory_space<hbm>>
    %dma_wait3A_236 = arith.constant 0 : i32
    %dma_wait3A_237 = arith.constant 0 : i32
    %dma_wait3A_238 = tpu.memref_slice %arg9[%dma_wait3A_236, %dma_wait3A_237] : memref<16x1024xf32, #tpu.memory_space<vmem>> -> memref<16x1024xf32, #tpu.memory_space<vmem>>
    tpu.wait_dma2 semaphore(%arg21 : memref<!tpu.dma_semaphore, #tpu.memory_space<semaphore_mem>>) src(%dma_wait3A_238 : memref<16x1024xf32, #tpu.memory_space<vmem>>) dst(%dma_wait3A_235 : memref<16x1024xf32, #tpu.memory_space<hbm>>)
    %dma_start3A_239 = arith.constant 0 : i32
    %dma_start3A_240 = arith.constant 0 : i32
    %dma_start3A_241 = tpu.memref_slice %arg9[%dma_start3A_239, %dma_start3A_240] : memref<16x1024xf32, #tpu.memory_space<vmem>> -> memref<16x1024xf32, #tpu.memory_space<vmem>>
    %dma_start3A_242 = arith.constant 144 : i32
    %dma_start3A_243 = tpu.memref_slice %arg5[%dma_start3A_242] : memref<256xi32, #tpu.memory_space<vmem>> -> memref<16xi32, #tpu.memory_space<vmem>>
    %dma_start3A_244 = arith.constant 0 : i32
    %dma_start3A_245 = arith.constant 0 : i32
    %dma_start3A_246 = tpu.memref_slice %arg3[%dma_start3A_244, %dma_start3A_245] : memref<100000x1024xf32, #tpu.memory_space<hbm>> -> memref<100000x1024xf32, #tpu.memory_space<hbm>>
    tpu.enqueue_indirect_dma source(%dma_start3A_246 : memref<100000x1024xf32, #tpu.memory_space<hbm>>) target(%dma_start3A_241 : memref<16x1024xf32, #tpu.memory_space<vmem>>) offsets(%dma_start3A_243 : memref<16xi32, #tpu.memory_space<vmem>>) semaphore(%arg15 : memref<!tpu.dma_semaphore, #tpu.memory_space<semaphore_mem>>)
    %dma_wait3A_247 = arith.constant 0 : i32
    %dma_wait3A_248 = arith.constant 0 : i32
    %dma_wait3A_249 = tpu.memref_slice %arg10[%dma_wait3A_247, %dma_wait3A_248] : memref<16x1024xf32, #tpu.memory_space<vmem>> -> memref<16x1024xf32, #tpu.memory_space<vmem>>
    %dma_wait3A_250 = arith.constant 64 : i32
    %dma_wait3A_251 = tpu.memref_slice %arg5[%dma_wait3A_250] : memref<256xi32, #tpu.memory_space<vmem>> -> memref<16xi32, #tpu.memory_space<vmem>>
    %dma_wait3A_252 = arith.constant 0 : i32
    %dma_wait3A_253 = arith.constant 0 : i32
    %dma_wait3A_254 = tpu.memref_slice %arg3[%dma_wait3A_252, %dma_wait3A_253] : memref<100000x1024xf32, #tpu.memory_space<hbm>> -> memref<100000x1024xf32, #tpu.memory_space<hbm>>
    tpu.wait_indirect_dma semaphore(%arg16 : memref<!tpu.dma_semaphore, #tpu.memory_space<semaphore_mem>>) src(%dma_wait3A_254 : memref<100000x1024xf32, #tpu.memory_space<hbm>>) dst(%dma_wait3A_249 : memref<16x1024xf32, #tpu.memory_space<vmem>>)
    %add3A_255 = arith.constant 64 : i32
    %add3A_256 = arith.addi %mul3A_32, %add3A_255 : i32
    %dma_start3A_257 = arith.constant 0 : i32
    %dma_start3A_258 = arith.constant 0 : i32
    %dma_start3A_259 = tpu.memref_slice %arg10[%dma_start3A_257, %dma_start3A_258] : memref<16x1024xf32, #tpu.memory_space<vmem>> -> memref<16x1024xf32, #tpu.memory_space<vmem>>
    %dma_start3A_260 = arith.constant 0 : i32
    %dma_start3A_261 = tpu.memref_slice %arg4[%select_n3A, %add3A_256, %dma_start3A_260] : memref<4x2048x1024xf32, #tpu.memory_space<hbm>> -> memref<1x16x1024xf32, #tpu.memory_space<hbm>>
    %dma_start3A_262 = tpu.memref_squeeze %dma_start3A_261 : memref<1x16x1024xf32, #tpu.memory_space<hbm>> -> memref<16x1024xf32, #tpu.memory_space<hbm>>
    %dma_start3A_263 = arith.constant 0 : i32
    %dma_start3A_264 = tpu.memref_slice %arg4[%select_n3A, %add3A_256, %dma_start3A_263] : memref<4x2048x1024xf32, #tpu.memory_space<hbm>> -> memref<1x16x1024xf32, #tpu.memory_space<hbm>>
    %dma_start3A_265 = tpu.memref_squeeze %dma_start3A_264 : memref<1x16x1024xf32, #tpu.memory_space<hbm>> -> memref<16x1024xf32, #tpu.memory_space<hbm>>
    %dma_start3A_266 = arith.constant 0 : i32
    %dma_start3A_267 = arith.constant 0 : i32
    %dma_start3A_268 = tpu.memref_slice %arg10[%dma_start3A_266, %dma_start3A_267] : memref<16x1024xf32, #tpu.memory_space<vmem>> -> memref<16x1024xf32, #tpu.memory_space<vmem>>
    tpu.enqueue_dma source(%dma_start3A_268 : memref<16x1024xf32, #tpu.memory_space<vmem>>) target(%dma_start3A_265 : memref<16x1024xf32, #tpu.memory_space<hbm>>) target_semaphore(%arg22 : memref<!tpu.dma_semaphore, #tpu.memory_space<semaphore_mem>>)
    %dma_wait3A_269 = arith.constant 0 : i32
    %dma_wait3A_270 = arith.constant 0 : i32
    %dma_wait3A_271 = tpu.memref_slice %arg10[%dma_wait3A_269, %dma_wait3A_270] : memref<16x1024xf32, #tpu.memory_space<vmem>> -> memref<16x1024xf32, #tpu.memory_space<vmem>>
    %dma_wait3A_272 = arith.constant 0 : i32
    %dma_wait3A_273 = tpu.memref_slice %arg4[%select_n3A, %add3A_256, %dma_wait3A_272] : memref<4x2048x1024xf32, #tpu.memory_space<hbm>> -> memref<1x16x1024xf32, #tpu.memory_space<hbm>>
    %dma_wait3A_274 = tpu.memref_squeeze %dma_wait3A_273 : memref<1x16x1024xf32, #tpu.memory_space<hbm>> -> memref<16x1024xf32, #tpu.memory_space<hbm>>
    %dma_wait3A_275 = arith.constant 0 : i32
    %dma_wait3A_276 = tpu.memref_slice %arg4[%select_n3A, %add3A_256, %dma_wait3A_275] : memref<4x2048x1024xf32, #tpu.memory_space<hbm>> -> memref<1x16x1024xf32, #tpu.memory_space<hbm>>
    %dma_wait3A_277 = tpu.memref_squeeze %dma_wait3A_276 : memref<1x16x1024xf32, #tpu.memory_space<hbm>> -> memref<16x1024xf32, #tpu.memory_space<hbm>>
    %dma_wait3A_278 = arith.constant 0 : i32
    %dma_wait3A_279 = arith.constant 0 : i32
    %dma_wait3A_280 = tpu.memref_slice %arg10[%dma_wait3A_278, %dma_wait3A_279] : memref<16x1024xf32, #tpu.memory_space<vmem>> -> memref<16x1024xf32, #tpu.memory_space<vmem>>
    tpu.wait_dma2 semaphore(%arg22 : memref<!tpu.dma_semaphore, #tpu.memory_space<semaphore_mem>>) src(%dma_wait3A_280 : memref<16x1024xf32, #tpu.memory_space<vmem>>) dst(%dma_wait3A_277 : memref<16x1024xf32, #tpu.memory_space<hbm>>)
    %dma_start3A_281 = arith.constant 0 : i32
    %dma_start3A_282 = arith.constant 0 : i32
    %dma_start3A_283 = tpu.memref_slice %arg10[%dma_start3A_281, %dma_start3A_282] : memref<16x1024xf32, #tpu.memory_space<vmem>> -> memref<16x1024xf32, #tpu.memory_space<vmem>>
    %dma_start3A_284 = arith.constant 160 : i32
    %dma_start3A_285 = tpu.memref_slice %arg5[%dma_start3A_284] : memref<256xi32, #tpu.memory_space<vmem>> -> memref<16xi32, #tpu.memory_space<vmem>>
    %dma_start3A_286 = arith.constant 0 : i32
    %dma_start3A_287 = arith.constant 0 : i32
    %dma_start3A_288 = tpu.memref_slice %arg3[%dma_start3A_286, %dma_start3A_287] : memref<100000x1024xf32, #tpu.memory_space<hbm>> -> memref<100000x1024xf32, #tpu.memory_space<hbm>>
    tpu.enqueue_indirect_dma source(%dma_start3A_288 : memref<100000x1024xf32, #tpu.memory_space<hbm>>) target(%dma_start3A_283 : memref<16x1024xf32, #tpu.memory_space<vmem>>) offsets(%dma_start3A_285 : memref<16xi32, #tpu.memory_space<vmem>>) semaphore(%arg16 : memref<!tpu.dma_semaphore, #tpu.memory_space<semaphore_mem>>)
    %dma_wait3A_289 = arith.constant 0 : i32
    %dma_wait3A_290 = arith.constant 0 : i32
    %dma_wait3A_291 = tpu.memref_slice %arg11[%dma_wait3A_289, %dma_wait3A_290] : memref<16x1024xf32, #tpu.memory_space<vmem>> -> memref<16x1024xf32, #tpu.memory_space<vmem>>
    %dma_wait3A_292 = arith.constant 80 : i32
    %dma_wait3A_293 = tpu.memref_slice %arg5[%dma_wait3A_292] : memref<256xi32, #tpu.memory_space<vmem>> -> memref<16xi32, #tpu.memory_space<vmem>>
    %dma_wait3A_294 = arith.constant 0 : i32
    %dma_wait3A_295 = arith.constant 0 : i32
    %dma_wait3A_296 = tpu.memref_slice %arg3[%dma_wait3A_294, %dma_wait3A_295] : memref<100000x1024xf32, #tpu.memory_space<hbm>> -> memref<100000x1024xf32, #tpu.memory_space<hbm>>
    tpu.wait_indirect_dma semaphore(%arg17 : memref<!tpu.dma_semaphore, #tpu.memory_space<semaphore_mem>>) src(%dma_wait3A_296 : memref<100000x1024xf32, #tpu.memory_space<hbm>>) dst(%dma_wait3A_291 : memref<16x1024xf32, #tpu.memory_space<vmem>>)
    %add3A_297 = arith.constant 80 : i32
    %add3A_298 = arith.addi %mul3A_32, %add3A_297 : i32
    %dma_start3A_299 = arith.constant 0 : i32
    %dma_start3A_300 = arith.constant 0 : i32
    %dma_start3A_301 = tpu.memref_slice %arg11[%dma_start3A_299, %dma_start3A_300] : memref<16x1024xf32, #tpu.memory_space<vmem>> -> memref<16x1024xf32, #tpu.memory_space<vmem>>
    %dma_start3A_302 = arith.constant 0 : i32
    %dma_start3A_303 = tpu.memref_slice %arg4[%select_n3A, %add3A_298, %dma_start3A_302] : memref<4x2048x1024xf32, #tpu.memory_space<hbm>> -> memref<1x16x1024xf32, #tpu.memory_space<hbm>>
    %dma_start3A_304 = tpu.memref_squeeze %dma_start3A_303 : memref<1x16x1024xf32, #tpu.memory_space<hbm>> -> memref<16x1024xf32, #tpu.memory_space<hbm>>
    %dma_start3A_305 = arith.constant 0 : i32
    %dma_start3A_306 = tpu.memref_slice %arg4[%select_n3A, %add3A_298, %dma_start3A_305] : memref<4x2048x1024xf32, #tpu.memory_space<hbm>> -> memref<1x16x1024xf32, #tpu.memory_space<hbm>>
    %dma_start3A_307 = tpu.memref_squeeze %dma_start3A_306 : memref<1x16x1024xf32, #tpu.memory_space<hbm>> -> memref<16x1024xf32, #tpu.memory_space<hbm>>
    %dma_start3A_308 = arith.constant 0 : i32
    %dma_start3A_309 = arith.constant 0 : i32
    %dma_start3A_310 = tpu.memref_slice %arg11[%dma_start3A_308, %dma_start3A_309] : memref<16x1024xf32, #tpu.memory_space<vmem>> -> memref<16x1024xf32, #tpu.memory_space<vmem>>
    tpu.enqueue_dma source(%dma_start3A_310 : memref<16x1024xf32, #tpu.memory_space<vmem>>) target(%dma_start3A_307 : memref<16x1024xf32, #tpu.memory_space<hbm>>) target_semaphore(%arg23 : memref<!tpu.dma_semaphore, #tpu.memory_space<semaphore_mem>>)
    %dma_wait3A_311 = arith.constant 0 : i32
    %dma_wait3A_312 = arith.constant 0 : i32
    %dma_wait3A_313 = tpu.memref_slice %arg11[%dma_wait3A_311, %dma_wait3A_312] : memref<16x1024xf32, #tpu.memory_space<vmem>> -> memref<16x1024xf32, #tpu.memory_space<vmem>>
    %dma_wait3A_314 = arith.constant 0 : i32
    %dma_wait3A_315 = tpu.memref_slice %arg4[%select_n3A, %add3A_298, %dma_wait3A_314] : memref<4x2048x1024xf32, #tpu.memory_space<hbm>> -> memref<1x16x1024xf32, #tpu.memory_space<hbm>>
    %dma_wait3A_316 = tpu.memref_squeeze %dma_wait3A_315 : memref<1x16x1024xf32, #tpu.memory_space<hbm>> -> memref<16x1024xf32, #tpu.memory_space<hbm>>
    %dma_wait3A_317 = arith.constant 0 : i32
    %dma_wait3A_318 = tpu.memref_slice %arg4[%select_n3A, %add3A_298, %dma_wait3A_317] : memref<4x2048x1024xf32, #tpu.memory_space<hbm>> -> memref<1x16x1024xf32, #tpu.memory_space<hbm>>
    %dma_wait3A_319 = tpu.memref_squeeze %dma_wait3A_318 : memref<1x16x1024xf32, #tpu.memory_space<hbm>> -> memref<16x1024xf32, #tpu.memory_space<hbm>>
    %dma_wait3A_320 = arith.constant 0 : i32
    %dma_wait3A_321 = arith.constant 0 : i32
    %dma_wait3A_322 = tpu.memref_slice %arg11[%dma_wait3A_320, %dma_wait3A_321] : memref<16x1024xf32, #tpu.memory_space<vmem>> -> memref<16x1024xf32, #tpu.memory_space<vmem>>
    tpu.wait_dma2 semaphore(%arg23 : memref<!tpu.dma_semaphore, #tpu.memory_space<semaphore_mem>>) src(%dma_wait3A_322 : memref<16x1024xf32, #tpu.memory_space<vmem>>) dst(%dma_wait3A_319 : memref<16x1024xf32, #tpu.memory_space<hbm>>)
    %dma_start3A_323 = arith.constant 0 : i32
    %dma_start3A_324 = arith.constant 0 : i32
    %dma_start3A_325 = tpu.memref_slice %arg11[%dma_start3A_323, %dma_start3A_324] : memref<16x1024xf32, #tpu.memory_space<vmem>> -> memref<16x1024xf32, #tpu.memory_space<vmem>>
    %dma_start3A_326 = arith.constant 176 : i32
    %dma_start3A_327 = tpu.memref_slice %arg5[%dma_start3A_326] : memref<256xi32, #tpu.memory_space<vmem>> -> memref<16xi32, #tpu.memory_space<vmem>>
    %dma_start3A_328 = arith.constant 0 : i32
    %dma_start3A_329 = arith.constant 0 : i32
    %dma_start3A_330 = tpu.memref_slice %arg3[%dma_start3A_328, %dma_start3A_329] : memref<100000x1024xf32, #tpu.memory_space<hbm>> -> memref<100000x1024xf32, #tpu.memory_space<hbm>>
    tpu.enqueue_indirect_dma source(%dma_start3A_330 : memref<100000x1024xf32, #tpu.memory_space<hbm>>) target(%dma_start3A_325 : memref<16x1024xf32, #tpu.memory_space<vmem>>) offsets(%dma_start3A_327 : memref<16xi32, #tpu.memory_space<vmem>>) semaphore(%arg17 : memref<!tpu.dma_semaphore, #tpu.memory_space<semaphore_mem>>)
    %dma_wait3A_331 = arith.constant 0 : i32
    %dma_wait3A_332 = arith.constant 0 : i32
    %dma_wait3A_333 = tpu.memref_slice %arg6[%dma_wait3A_331, %dma_wait3A_332] : memref<16x1024xf32, #tpu.memory_space<vmem>> -> memref<16x1024xf32, #tpu.memory_space<vmem>>
    %dma_wait3A_334 = arith.constant 96 : i32
    %dma_wait3A_335 = tpu.memref_slice %arg5[%dma_wait3A_334] : memref<256xi32, #tpu.memory_space<vmem>> -> memref<16xi32, #tpu.memory_space<vmem>>
    %dma_wait3A_336 = arith.constant 0 : i32
    %dma_wait3A_337 = arith.constant 0 : i32
    %dma_wait3A_338 = tpu.memref_slice %arg3[%dma_wait3A_336, %dma_wait3A_337] : memref<100000x1024xf32, #tpu.memory_space<hbm>> -> memref<100000x1024xf32, #tpu.memory_space<hbm>>
    tpu.wait_indirect_dma semaphore(%arg12 : memref<!tpu.dma_semaphore, #tpu.memory_space<semaphore_mem>>) src(%dma_wait3A_338 : memref<100000x1024xf32, #tpu.memory_space<hbm>>) dst(%dma_wait3A_333 : memref<16x1024xf32, #tpu.memory_space<vmem>>)
    %add3A_339 = arith.constant 96 : i32
    %add3A_340 = arith.addi %mul3A_32, %add3A_339 : i32
    %dma_start3A_341 = arith.constant 0 : i32
    %dma_start3A_342 = arith.constant 0 : i32
    %dma_start3A_343 = tpu.memref_slice %arg6[%dma_start3A_341, %dma_start3A_342] : memref<16x1024xf32, #tpu.memory_space<vmem>> -> memref<16x1024xf32, #tpu.memory_space<vmem>>
    %dma_start3A_344 = arith.constant 0 : i32
    %dma_start3A_345 = tpu.memref_slice %arg4[%select_n3A, %add3A_340, %dma_start3A_344] : memref<4x2048x1024xf32, #tpu.memory_space<hbm>> -> memref<1x16x1024xf32, #tpu.memory_space<hbm>>
    %dma_start3A_346 = tpu.memref_squeeze %dma_start3A_345 : memref<1x16x1024xf32, #tpu.memory_space<hbm>> -> memref<16x1024xf32, #tpu.memory_space<hbm>>
    %dma_start3A_347 = arith.constant 0 : i32
    %dma_start3A_348 = tpu.memref_slice %arg4[%select_n3A, %add3A_340, %dma_start3A_347] : memref<4x2048x1024xf32, #tpu.memory_space<hbm>> -> memref<1x16x1024xf32, #tpu.memory_space<hbm>>
    %dma_start3A_349 = tpu.memref_squeeze %dma_start3A_348 : memref<1x16x1024xf32, #tpu.memory_space<hbm>> -> memref<16x1024xf32, #tpu.memory_space<hbm>>
    %dma_start3A_350 = arith.constant 0 : i32
    %dma_start3A_351 = arith.constant 0 : i32
    %dma_start3A_352 = tpu.memref_slice %arg6[%dma_start3A_350, %dma_start3A_351] : memref<16x1024xf32, #tpu.memory_space<vmem>> -> memref<16x1024xf32, #tpu.memory_space<vmem>>
    tpu.enqueue_dma source(%dma_start3A_352 : memref<16x1024xf32, #tpu.memory_space<vmem>>) target(%dma_start3A_349 : memref<16x1024xf32, #tpu.memory_space<hbm>>) target_semaphore(%arg18 : memref<!tpu.dma_semaphore, #tpu.memory_space<semaphore_mem>>)
    %dma_wait3A_353 = arith.constant 0 : i32
    %dma_wait3A_354 = arith.constant 0 : i32
    %dma_wait3A_355 = tpu.memref_slice %arg6[%dma_wait3A_353, %dma_wait3A_354] : memref<16x1024xf32, #tpu.memory_space<vmem>> -> memref<16x1024xf32, #tpu.memory_space<vmem>>
    %dma_wait3A_356 = arith.constant 0 : i32
    %dma_wait3A_357 = tpu.memref_slice %arg4[%select_n3A, %add3A_340, %dma_wait3A_356] : memref<4x2048x1024xf32, #tpu.memory_space<hbm>> -> memref<1x16x1024xf32, #tpu.memory_space<hbm>>
    %dma_wait3A_358 = tpu.memref_squeeze %dma_wait3A_357 : memref<1x16x1024xf32, #tpu.memory_space<hbm>> -> memref<16x1024xf32, #tpu.memory_space<hbm>>
    %dma_wait3A_359 = arith.constant 0 : i32
    %dma_wait3A_360 = tpu.memref_slice %arg4[%select_n3A, %add3A_340, %dma_wait3A_359] : memref<4x2048x1024xf32, #tpu.memory_space<hbm>> -> memref<1x16x1024xf32, #tpu.memory_space<hbm>>
    %dma_wait3A_361 = tpu.memref_squeeze %dma_wait3A_360 : memref<1x16x1024xf32, #tpu.memory_space<hbm>> -> memref<16x1024xf32, #tpu.memory_space<hbm>>
    %dma_wait3A_362 = arith.constant 0 : i32
    %dma_wait3A_363 = arith.constant 0 : i32
    %dma_wait3A_364 = tpu.memref_slice %arg6[%dma_wait3A_362, %dma_wait3A_363] : memref<16x1024xf32, #tpu.memory_space<vmem>> -> memref<16x1024xf32, #tpu.memory_space<vmem>>
    tpu.wait_dma2 semaphore(%arg18 : memref<!tpu.dma_semaphore, #tpu.memory_space<semaphore_mem>>) src(%dma_wait3A_364 : memref<16x1024xf32, #tpu.memory_space<vmem>>) dst(%dma_wait3A_361 : memref<16x1024xf32, #tpu.memory_space<hbm>>)
    %dma_start3A_365 = arith.constant 0 : i32
    %dma_start3A_366 = arith.constant 0 : i32
    %dma_start3A_367 = tpu.memref_slice %arg6[%dma_start3A_365, %dma_start3A_366] : memref<16x1024xf32, #tpu.memory_space<vmem>> -> memref<16x1024xf32, #tpu.memory_space<vmem>>
    %dma_start3A_368 = arith.constant 192 : i32
    %dma_start3A_369 = tpu.memref_slice %arg5[%dma_start3A_368] : memref<256xi32, #tpu.memory_space<vmem>> -> memref<16xi32, #tpu.memory_space<vmem>>
    %dma_start3A_370 = arith.constant 0 : i32
    %dma_start3A_371 = arith.constant 0 : i32
    %dma_start3A_372 = tpu.memref_slice %arg3[%dma_start3A_370, %dma_start3A_371] : memref<100000x1024xf32, #tpu.memory_space<hbm>> -> memref<100000x1024xf32, #tpu.memory_space<hbm>>
    tpu.enqueue_indirect_dma source(%dma_start3A_372 : memref<100000x1024xf32, #tpu.memory_space<hbm>>) target(%dma_start3A_367 : memref<16x1024xf32, #tpu.memory_space<vmem>>) offsets(%dma_start3A_369 : memref<16xi32, #tpu.memory_space<vmem>>) semaphore(%arg12 : memref<!tpu.dma_semaphore, #tpu.memory_space<semaphore_mem>>)
    %dma_wait3A_373 = arith.constant 0 : i32
    %dma_wait3A_374 = arith.constant 0 : i32
    %dma_wait3A_375 = tpu.memref_slice %arg7[%dma_wait3A_373, %dma_wait3A_374] : memref<16x1024xf32, #tpu.memory_space<vmem>> -> memref<16x1024xf32, #tpu.memory_space<vmem>>
    %dma_wait3A_376 = arith.constant 112 : i32
    %dma_wait3A_377 = tpu.memref_slice %arg5[%dma_wait3A_376] : memref<256xi32, #tpu.memory_space<vmem>> -> memref<16xi32, #tpu.memory_space<vmem>>
    %dma_wait3A_378 = arith.constant 0 : i32
    %dma_wait3A_379 = arith.constant 0 : i32
    %dma_wait3A_380 = tpu.memref_slice %arg3[%dma_wait3A_378, %dma_wait3A_379] : memref<100000x1024xf32, #tpu.memory_space<hbm>> -> memref<100000x1024xf32, #tpu.memory_space<hbm>>
    tpu.wait_indirect_dma semaphore(%arg13 : memref<!tpu.dma_semaphore, #tpu.memory_space<semaphore_mem>>) src(%dma_wait3A_380 : memref<100000x1024xf32, #tpu.memory_space<hbm>>) dst(%dma_wait3A_375 : memref<16x1024xf32, #tpu.memory_space<vmem>>)
    %add3A_381 = arith.constant 112 : i32
    %add3A_382 = arith.addi %mul3A_32, %add3A_381 : i32
    %dma_start3A_383 = arith.constant 0 : i32
    %dma_start3A_384 = arith.constant 0 : i32
    %dma_start3A_385 = tpu.memref_slice %arg7[%dma_start3A_383, %dma_start3A_384] : memref<16x1024xf32, #tpu.memory_space<vmem>> -> memref<16x1024xf32, #tpu.memory_space<vmem>>
    %dma_start3A_386 = arith.constant 0 : i32
    %dma_start3A_387 = tpu.memref_slice %arg4[%select_n3A, %add3A_382, %dma_start3A_386] : memref<4x2048x1024xf32, #tpu.memory_space<hbm>> -> memref<1x16x1024xf32, #tpu.memory_space<hbm>>
    %dma_start3A_388 = tpu.memref_squeeze %dma_start3A_387 : memref<1x16x1024xf32, #tpu.memory_space<hbm>> -> memref<16x1024xf32, #tpu.memory_space<hbm>>
    %dma_start3A_389 = arith.constant 0 : i32
    %dma_start3A_390 = tpu.memref_slice %arg4[%select_n3A, %add3A_382, %dma_start3A_389] : memref<4x2048x1024xf32, #tpu.memory_space<hbm>> -> memref<1x16x1024xf32, #tpu.memory_space<hbm>>
    %dma_start3A_391 = tpu.memref_squeeze %dma_start3A_390 : memref<1x16x1024xf32, #tpu.memory_space<hbm>> -> memref<16x1024xf32, #tpu.memory_space<hbm>>
    %dma_start3A_392 = arith.constant 0 : i32
    %dma_start3A_393 = arith.constant 0 : i32
    %dma_start3A_394 = tpu.memref_slice %arg7[%dma_start3A_392, %dma_start3A_393] : memref<16x1024xf32, #tpu.memory_space<vmem>> -> memref<16x1024xf32, #tpu.memory_space<vmem>>
    tpu.enqueue_dma source(%dma_start3A_394 : memref<16x1024xf32, #tpu.memory_space<vmem>>) target(%dma_start3A_391 : memref<16x1024xf32, #tpu.memory_space<hbm>>) target_semaphore(%arg19 : memref<!tpu.dma_semaphore, #tpu.memory_space<semaphore_mem>>)
    %dma_wait3A_395 = arith.constant 0 : i32
    %dma_wait3A_396 = arith.constant 0 : i32
    %dma_wait3A_397 = tpu.memref_slice %arg7[%dma_wait3A_395, %dma_wait3A_396] : memref<16x1024xf32, #tpu.memory_space<vmem>> -> memref<16x1024xf32, #tpu.memory_space<vmem>>
    %dma_wait3A_398 = arith.constant 0 : i32
    %dma_wait3A_399 = tpu.memref_slice %arg4[%select_n3A, %add3A_382, %dma_wait3A_398] : memref<4x2048x1024xf32, #tpu.memory_space<hbm>> -> memref<1x16x1024xf32, #tpu.memory_space<hbm>>
    %dma_wait3A_400 = tpu.memref_squeeze %dma_wait3A_399 : memref<1x16x1024xf32, #tpu.memory_space<hbm>> -> memref<16x1024xf32, #tpu.memory_space<hbm>>
    %dma_wait3A_401 = arith.constant 0 : i32
    %dma_wait3A_402 = tpu.memref_slice %arg4[%select_n3A, %add3A_382, %dma_wait3A_401] : memref<4x2048x1024xf32, #tpu.memory_space<hbm>> -> memref<1x16x1024xf32, #tpu.memory_space<hbm>>
    %dma_wait3A_403 = tpu.memref_squeeze %dma_wait3A_402 : memref<1x16x1024xf32, #tpu.memory_space<hbm>> -> memref<16x1024xf32, #tpu.memory_space<hbm>>
    %dma_wait3A_404 = arith.constant 0 : i32
    %dma_wait3A_405 = arith.constant 0 : i32
    %dma_wait3A_406 = tpu.memref_slice %arg7[%dma_wait3A_404, %dma_wait3A_405] : memref<16x1024xf32, #tpu.memory_space<vmem>> -> memref<16x1024xf32, #tpu.memory_space<vmem>>
    tpu.wait_dma2 semaphore(%arg19 : memref<!tpu.dma_semaphore, #tpu.memory_space<semaphore_mem>>) src(%dma_wait3A_406 : memref<16x1024xf32, #tpu.memory_space<vmem>>) dst(%dma_wait3A_403 : memref<16x1024xf32, #tpu.memory_space<hbm>>)
    %dma_start3A_407 = arith.constant 0 : i32
    %dma_start3A_408 = arith.constant 0 : i32
    %dma_start3A_409 = tpu.memref_slice %arg7[%dma_start3A_407, %dma_start3A_408] : memref<16x1024xf32, #tpu.memory_space<vmem>> -> memref<16x1024xf32, #tpu.memory_space<vmem>>
    %dma_start3A_410 = arith.constant 208 : i32
    %dma_start3A_411 = tpu.memref_slice %arg5[%dma_start3A_410] : memref<256xi32, #tpu.memory_space<vmem>> -> memref<16xi32, #tpu.memory_space<vmem>>
    %dma_start3A_412 = arith.constant 0 : i32
    %dma_start3A_413 = arith.constant 0 : i32
    %dma_start3A_414 = tpu.memref_slice %arg3[%dma_start3A_412, %dma_start3A_413] : memref<100000x1024xf32, #tpu.memory_space<hbm>> -> memref<100000x1024xf32, #tpu.memory_space<hbm>>
    tpu.enqueue_indirect_dma source(%dma_start3A_414 : memref<100000x1024xf32, #tpu.memory_space<hbm>>) target(%dma_start3A_409 : memref<16x1024xf32, #tpu.memory_space<vmem>>) offsets(%dma_start3A_411 : memref<16xi32, #tpu.memory_space<vmem>>) semaphore(%arg13 : memref<!tpu.dma_semaphore, #tpu.memory_space<semaphore_mem>>)
    %dma_wait3A_415 = arith.constant 0 : i32
    %dma_wait3A_416 = arith.constant 0 : i32
    %dma_wait3A_417 = tpu.memref_slice %arg8[%dma_wait3A_415, %dma_wait3A_416] : memref<16x1024xf32, #tpu.memory_space<vmem>> -> memref<16x1024xf32, #tpu.memory_space<vmem>>
    %dma_wait3A_418 = arith.constant 128 : i32
    %dma_wait3A_419 = tpu.memref_slice %arg5[%dma_wait3A_418] : memref<256xi32, #tpu.memory_space<vmem>> -> memref<16xi32, #tpu.memory_space<vmem>>
    %dma_wait3A_420 = arith.constant 0 : i32
    %dma_wait3A_421 = arith.constant 0 : i32
    %dma_wait3A_422 = tpu.memref_slice %arg3[%dma_wait3A_420, %dma_wait3A_421] : memref<100000x1024xf32, #tpu.memory_space<hbm>> -> memref<100000x1024xf32, #tpu.memory_space<hbm>>
    tpu.wait_indirect_dma semaphore(%arg14 : memref<!tpu.dma_semaphore, #tpu.memory_space<semaphore_mem>>) src(%dma_wait3A_422 : memref<100000x1024xf32, #tpu.memory_space<hbm>>) dst(%dma_wait3A_417 : memref<16x1024xf32, #tpu.memory_space<vmem>>)
    %add3A_423 = arith.constant 128 : i32
    %add3A_424 = arith.addi %mul3A_32, %add3A_423 : i32
    %dma_start3A_425 = arith.constant 0 : i32
    %dma_start3A_426 = arith.constant 0 : i32
    %dma_start3A_427 = tpu.memref_slice %arg8[%dma_start3A_425, %dma_start3A_426] : memref<16x1024xf32, #tpu.memory_space<vmem>> -> memref<16x1024xf32, #tpu.memory_space<vmem>>
    %dma_start3A_428 = arith.constant 0 : i32
    %dma_start3A_429 = tpu.memref_slice %arg4[%select_n3A, %add3A_424, %dma_start3A_428] : memref<4x2048x1024xf32, #tpu.memory_space<hbm>> -> memref<1x16x1024xf32, #tpu.memory_space<hbm>>
    %dma_start3A_430 = tpu.memref_squeeze %dma_start3A_429 : memref<1x16x1024xf32, #tpu.memory_space<hbm>> -> memref<16x1024xf32, #tpu.memory_space<hbm>>
    %dma_start3A_431 = arith.constant 0 : i32
    %dma_start3A_432 = tpu.memref_slice %arg4[%select_n3A, %add3A_424, %dma_start3A_431] : memref<4x2048x1024xf32, #tpu.memory_space<hbm>> -> memref<1x16x1024xf32, #tpu.memory_space<hbm>>
    %dma_start3A_433 = tpu.memref_squeeze %dma_start3A_432 : memref<1x16x1024xf32, #tpu.memory_space<hbm>> -> memref<16x1024xf32, #tpu.memory_space<hbm>>
    %dma_start3A_434 = arith.constant 0 : i32
    %dma_start3A_435 = arith.constant 0 : i32
    %dma_start3A_436 = tpu.memref_slice %arg8[%dma_start3A_434, %dma_start3A_435] : memref<16x1024xf32, #tpu.memory_space<vmem>> -> memref<16x1024xf32, #tpu.memory_space<vmem>>
    tpu.enqueue_dma source(%dma_start3A_436 : memref<16x1024xf32, #tpu.memory_space<vmem>>) target(%dma_start3A_433 : memref<16x1024xf32, #tpu.memory_space<hbm>>) target_semaphore(%arg20 : memref<!tpu.dma_semaphore, #tpu.memory_space<semaphore_mem>>)
    %dma_wait3A_437 = arith.constant 0 : i32
    %dma_wait3A_438 = arith.constant 0 : i32
    %dma_wait3A_439 = tpu.memref_slice %arg8[%dma_wait3A_437, %dma_wait3A_438] : memref<16x1024xf32, #tpu.memory_space<vmem>> -> memref<16x1024xf32, #tpu.memory_space<vmem>>
    %dma_wait3A_440 = arith.constant 0 : i32
    %dma_wait3A_441 = tpu.memref_slice %arg4[%select_n3A, %add3A_424, %dma_wait3A_440] : memref<4x2048x1024xf32, #tpu.memory_space<hbm>> -> memref<1x16x1024xf32, #tpu.memory_space<hbm>>
    %dma_wait3A_442 = tpu.memref_squeeze %dma_wait3A_441 : memref<1x16x1024xf32, #tpu.memory_space<hbm>> -> memref<16x1024xf32, #tpu.memory_space<hbm>>
    %dma_wait3A_443 = arith.constant 0 : i32
    %dma_wait3A_444 = tpu.memref_slice %arg4[%select_n3A, %add3A_424, %dma_wait3A_443] : memref<4x2048x1024xf32, #tpu.memory_space<hbm>> -> memref<1x16x1024xf32, #tpu.memory_space<hbm>>
    %dma_wait3A_445 = tpu.memref_squeeze %dma_wait3A_444 : memref<1x16x1024xf32, #tpu.memory_space<hbm>> -> memref<16x1024xf32, #tpu.memory_space<hbm>>
    %dma_wait3A_446 = arith.constant 0 : i32
    %dma_wait3A_447 = arith.constant 0 : i32
    %dma_wait3A_448 = tpu.memref_slice %arg8[%dma_wait3A_446, %dma_wait3A_447] : memref<16x1024xf32, #tpu.memory_space<vmem>> -> memref<16x1024xf32, #tpu.memory_space<vmem>>
    tpu.wait_dma2 semaphore(%arg20 : memref<!tpu.dma_semaphore, #tpu.memory_space<semaphore_mem>>) src(%dma_wait3A_448 : memref<16x1024xf32, #tpu.memory_space<vmem>>) dst(%dma_wait3A_445 : memref<16x1024xf32, #tpu.memory_space<hbm>>)
    %dma_start3A_449 = arith.constant 0 : i32
    %dma_start3A_450 = arith.constant 0 : i32
    %dma_start3A_451 = tpu.memref_slice %arg8[%dma_start3A_449, %dma_start3A_450] : memref<16x1024xf32, #tpu.memory_space<vmem>> -> memref<16x1024xf32, #tpu.memory_space<vmem>>
    %dma_start3A_452 = arith.constant 224 : i32
    %dma_start3A_453 = tpu.memref_slice %arg5[%dma_start3A_452] : memref<256xi32, #tpu.memory_space<vmem>> -> memref<16xi32, #tpu.memory_space<vmem>>
    %dma_start3A_454 = arith.constant 0 : i32
    %dma_start3A_455 = arith.constant 0 : i32
    %dma_start3A_456 = tpu.memref_slice %arg3[%dma_start3A_454, %dma_start3A_455] : memref<100000x1024xf32, #tpu.memory_space<hbm>> -> memref<100000x1024xf32, #tpu.memory_space<hbm>>
    tpu.enqueue_indirect_dma source(%dma_start3A_456 : memref<100000x1024xf32, #tpu.memory_space<hbm>>) target(%dma_start3A_451 : memref<16x1024xf32, #tpu.memory_space<vmem>>) offsets(%dma_start3A_453 : memref<16xi32, #tpu.memory_space<vmem>>) semaphore(%arg14 : memref<!tpu.dma_semaphore, #tpu.memory_space<semaphore_mem>>)
    %dma_wait3A_457 = arith.constant 0 : i32
    %dma_wait3A_458 = arith.constant 0 : i32
    %dma_wait3A_459 = tpu.memref_slice %arg9[%dma_wait3A_457, %dma_wait3A_458] : memref<16x1024xf32, #tpu.memory_space<vmem>> -> memref<16x1024xf32, #tpu.memory_space<vmem>>
    %dma_wait3A_460 = arith.constant 144 : i32
    %dma_wait3A_461 = tpu.memref_slice %arg5[%dma_wait3A_460] : memref<256xi32, #tpu.memory_space<vmem>> -> memref<16xi32, #tpu.memory_space<vmem>>
    %dma_wait3A_462 = arith.constant 0 : i32
    %dma_wait3A_463 = arith.constant 0 : i32
    %dma_wait3A_464 = tpu.memref_slice %arg3[%dma_wait3A_462, %dma_wait3A_463] : memref<100000x1024xf32, #tpu.memory_space<hbm>> -> memref<100000x1024xf32, #tpu.memory_space<hbm>>
    tpu.wait_indirect_dma semaphore(%arg15 : memref<!tpu.dma_semaphore, #tpu.memory_space<semaphore_mem>>) src(%dma_wait3A_464 : memref<100000x1024xf32, #tpu.memory_space<hbm>>) dst(%dma_wait3A_459 : memref<16x1024xf32, #tpu.memory_space<vmem>>)
    %add3A_465 = arith.constant 144 : i32
    %add3A_466 = arith.addi %mul3A_32, %add3A_465 : i32
    %dma_start3A_467 = arith.constant 0 : i32
    %dma_start3A_468 = arith.constant 0 : i32
    %dma_start3A_469 = tpu.memref_slice %arg9[%dma_start3A_467, %dma_start3A_468] : memref<16x1024xf32, #tpu.memory_space<vmem>> -> memref<16x1024xf32, #tpu.memory_space<vmem>>
    %dma_start3A_470 = arith.constant 0 : i32
    %dma_start3A_471 = tpu.memref_slice %arg4[%select_n3A, %add3A_466, %dma_start3A_470] : memref<4x2048x1024xf32, #tpu.memory_space<hbm>> -> memref<1x16x1024xf32, #tpu.memory_space<hbm>>
    %dma_start3A_472 = tpu.memref_squeeze %dma_start3A_471 : memref<1x16x1024xf32, #tpu.memory_space<hbm>> -> memref<16x1024xf32, #tpu.memory_space<hbm>>
    %dma_start3A_473 = arith.constant 0 : i32
    %dma_start3A_474 = tpu.memref_slice %arg4[%select_n3A, %add3A_466, %dma_start3A_473] : memref<4x2048x1024xf32, #tpu.memory_space<hbm>> -> memref<1x16x1024xf32, #tpu.memory_space<hbm>>
    %dma_start3A_475 = tpu.memref_squeeze %dma_start3A_474 : memref<1x16x1024xf32, #tpu.memory_space<hbm>> -> memref<16x1024xf32, #tpu.memory_space<hbm>>
    %dma_start3A_476 = arith.constant 0 : i32
    %dma_start3A_477 = arith.constant 0 : i32
    %dma_start3A_478 = tpu.memref_slice %arg9[%dma_start3A_476, %dma_start3A_477] : memref<16x1024xf32, #tpu.memory_space<vmem>> -> memref<16x1024xf32, #tpu.memory_space<vmem>>
    tpu.enqueue_dma source(%dma_start3A_478 : memref<16x1024xf32, #tpu.memory_space<vmem>>) target(%dma_start3A_475 : memref<16x1024xf32, #tpu.memory_space<hbm>>) target_semaphore(%arg21 : memref<!tpu.dma_semaphore, #tpu.memory_space<semaphore_mem>>)
    %dma_wait3A_479 = arith.constant 0 : i32
    %dma_wait3A_480 = arith.constant 0 : i32
    %dma_wait3A_481 = tpu.memref_slice %arg9[%dma_wait3A_479, %dma_wait3A_480] : memref<16x1024xf32, #tpu.memory_space<vmem>> -> memref<16x1024xf32, #tpu.memory_space<vmem>>
    %dma_wait3A_482 = arith.constant 0 : i32
    %dma_wait3A_483 = tpu.memref_slice %arg4[%select_n3A, %add3A_466, %dma_wait3A_482] : memref<4x2048x1024xf32, #tpu.memory_space<hbm>> -> memref<1x16x1024xf32, #tpu.memory_space<hbm>>
    %dma_wait3A_484 = tpu.memref_squeeze %dma_wait3A_483 : memref<1x16x1024xf32, #tpu.memory_space<hbm>> -> memref<16x1024xf32, #tpu.memory_space<hbm>>
    %dma_wait3A_485 = arith.constant 0 : i32
    %dma_wait3A_486 = tpu.memref_slice %arg4[%select_n3A, %add3A_466, %dma_wait3A_485] : memref<4x2048x1024xf32, #tpu.memory_space<hbm>> -> memref<1x16x1024xf32, #tpu.memory_space<hbm>>
    %dma_wait3A_487 = tpu.memref_squeeze %dma_wait3A_486 : memref<1x16x1024xf32, #tpu.memory_space<hbm>> -> memref<16x1024xf32, #tpu.memory_space<hbm>>
    %dma_wait3A_488 = arith.constant 0 : i32
    %dma_wait3A_489 = arith.constant 0 : i32
    %dma_wait3A_490 = tpu.memref_slice %arg9[%dma_wait3A_488, %dma_wait3A_489] : memref<16x1024xf32, #tpu.memory_space<vmem>> -> memref<16x1024xf32, #tpu.memory_space<vmem>>
    tpu.wait_dma2 semaphore(%arg21 : memref<!tpu.dma_semaphore, #tpu.memory_space<semaphore_mem>>) src(%dma_wait3A_490 : memref<16x1024xf32, #tpu.memory_space<vmem>>) dst(%dma_wait3A_487 : memref<16x1024xf32, #tpu.memory_space<hbm>>)
    %dma_start3A_491 = arith.constant 0 : i32
    %dma_start3A_492 = arith.constant 0 : i32
    %dma_start3A_493 = tpu.memref_slice %arg9[%dma_start3A_491, %dma_start3A_492] : memref<16x1024xf32, #tpu.memory_space<vmem>> -> memref<16x1024xf32, #tpu.memory_space<vmem>>
    %dma_start3A_494 = arith.constant 240 : i32
    %dma_start3A_495 = tpu.memref_slice %arg5[%dma_start3A_494] : memref<256xi32, #tpu.memory_space<vmem>> -> memref<16xi32, #tpu.memory_space<vmem>>
    %dma_start3A_496 = arith.constant 0 : i32
    %dma_start3A_497 = arith.constant 0 : i32
    %dma_start3A_498 = tpu.memref_slice %arg3[%dma_start3A_496, %dma_start3A_497] : memref<100000x1024xf32, #tpu.memory_space<hbm>> -> memref<100000x1024xf32, #tpu.memory_space<hbm>>
    tpu.enqueue_indirect_dma source(%dma_start3A_498 : memref<100000x1024xf32, #tpu.memory_space<hbm>>) target(%dma_start3A_493 : memref<16x1024xf32, #tpu.memory_space<vmem>>) offsets(%dma_start3A_495 : memref<16xi32, #tpu.memory_space<vmem>>) semaphore(%arg15 : memref<!tpu.dma_semaphore, #tpu.memory_space<semaphore_mem>>)
    %dma_wait3A_499 = arith.constant 0 : i32
    %dma_wait3A_500 = arith.constant 0 : i32
    %dma_wait3A_501 = tpu.memref_slice %arg10[%dma_wait3A_499, %dma_wait3A_500] : memref<16x1024xf32, #tpu.memory_space<vmem>> -> memref<16x1024xf32, #tpu.memory_space<vmem>>
    %dma_wait3A_502 = arith.constant 160 : i32
    %dma_wait3A_503 = tpu.memref_slice %arg5[%dma_wait3A_502] : memref<256xi32, #tpu.memory_space<vmem>> -> memref<16xi32, #tpu.memory_space<vmem>>
    %dma_wait3A_504 = arith.constant 0 : i32
    %dma_wait3A_505 = arith.constant 0 : i32
    %dma_wait3A_506 = tpu.memref_slice %arg3[%dma_wait3A_504, %dma_wait3A_505] : memref<100000x1024xf32, #tpu.memory_space<hbm>> -> memref<100000x1024xf32, #tpu.memory_space<hbm>>
    tpu.wait_indirect_dma semaphore(%arg16 : memref<!tpu.dma_semaphore, #tpu.memory_space<semaphore_mem>>) src(%dma_wait3A_506 : memref<100000x1024xf32, #tpu.memory_space<hbm>>) dst(%dma_wait3A_501 : memref<16x1024xf32, #tpu.memory_space<vmem>>)
    %add3A_507 = arith.constant 160 : i32
    %add3A_508 = arith.addi %mul3A_32, %add3A_507 : i32
    %dma_start3A_509 = arith.constant 0 : i32
    %dma_start3A_510 = arith.constant 0 : i32
    %dma_start3A_511 = tpu.memref_slice %arg10[%dma_start3A_509, %dma_start3A_510] : memref<16x1024xf32, #tpu.memory_space<vmem>> -> memref<16x1024xf32, #tpu.memory_space<vmem>>
    %dma_start3A_512 = arith.constant 0 : i32
    %dma_start3A_513 = tpu.memref_slice %arg4[%select_n3A, %add3A_508, %dma_start3A_512] : memref<4x2048x1024xf32, #tpu.memory_space<hbm>> -> memref<1x16x1024xf32, #tpu.memory_space<hbm>>
    %dma_start3A_514 = tpu.memref_squeeze %dma_start3A_513 : memref<1x16x1024xf32, #tpu.memory_space<hbm>> -> memref<16x1024xf32, #tpu.memory_space<hbm>>
    %dma_start3A_515 = arith.constant 0 : i32
    %dma_start3A_516 = tpu.memref_slice %arg4[%select_n3A, %add3A_508, %dma_start3A_515] : memref<4x2048x1024xf32, #tpu.memory_space<hbm>> -> memref<1x16x1024xf32, #tpu.memory_space<hbm>>
    %dma_start3A_517 = tpu.memref_squeeze %dma_start3A_516 : memref<1x16x1024xf32, #tpu.memory_space<hbm>> -> memref<16x1024xf32, #tpu.memory_space<hbm>>
    %dma_start3A_518 = arith.constant 0 : i32
    %dma_start3A_519 = arith.constant 0 : i32
    %dma_start3A_520 = tpu.memref_slice %arg10[%dma_start3A_518, %dma_start3A_519] : memref<16x1024xf32, #tpu.memory_space<vmem>> -> memref<16x1024xf32, #tpu.memory_space<vmem>>
    tpu.enqueue_dma source(%dma_start3A_520 : memref<16x1024xf32, #tpu.memory_space<vmem>>) target(%dma_start3A_517 : memref<16x1024xf32, #tpu.memory_space<hbm>>) target_semaphore(%arg22 : memref<!tpu.dma_semaphore, #tpu.memory_space<semaphore_mem>>)
    %dma_wait3A_521 = arith.constant 0 : i32
    %dma_wait3A_522 = arith.constant 0 : i32
    %dma_wait3A_523 = tpu.memref_slice %arg11[%dma_wait3A_521, %dma_wait3A_522] : memref<16x1024xf32, #tpu.memory_space<vmem>> -> memref<16x1024xf32, #tpu.memory_space<vmem>>
    %dma_wait3A_524 = arith.constant 176 : i32
    %dma_wait3A_525 = tpu.memref_slice %arg5[%dma_wait3A_524] : memref<256xi32, #tpu.memory_space<vmem>> -> memref<16xi32, #tpu.memory_space<vmem>>
    %dma_wait3A_526 = arith.constant 0 : i32
    %dma_wait3A_527 = arith.constant 0 : i32
    %dma_wait3A_528 = tpu.memref_slice %arg3[%dma_wait3A_526, %dma_wait3A_527] : memref<100000x1024xf32, #tpu.memory_space<hbm>> -> memref<100000x1024xf32, #tpu.memory_space<hbm>>
    tpu.wait_indirect_dma semaphore(%arg17 : memref<!tpu.dma_semaphore, #tpu.memory_space<semaphore_mem>>) src(%dma_wait3A_528 : memref<100000x1024xf32, #tpu.memory_space<hbm>>) dst(%dma_wait3A_523 : memref<16x1024xf32, #tpu.memory_space<vmem>>)
    %add3A_529 = arith.constant 176 : i32
    %add3A_530 = arith.addi %mul3A_32, %add3A_529 : i32
    %dma_start3A_531 = arith.constant 0 : i32
    %dma_start3A_532 = arith.constant 0 : i32
    %dma_start3A_533 = tpu.memref_slice %arg11[%dma_start3A_531, %dma_start3A_532] : memref<16x1024xf32, #tpu.memory_space<vmem>> -> memref<16x1024xf32, #tpu.memory_space<vmem>>
    %dma_start3A_534 = arith.constant 0 : i32
    %dma_start3A_535 = tpu.memref_slice %arg4[%select_n3A, %add3A_530, %dma_start3A_534] : memref<4x2048x1024xf32, #tpu.memory_space<hbm>> -> memref<1x16x1024xf32, #tpu.memory_space<hbm>>
    %dma_start3A_536 = tpu.memref_squeeze %dma_start3A_535 : memref<1x16x1024xf32, #tpu.memory_space<hbm>> -> memref<16x1024xf32, #tpu.memory_space<hbm>>
    %dma_start3A_537 = arith.constant 0 : i32
    %dma_start3A_538 = tpu.memref_slice %arg4[%select_n3A, %add3A_530, %dma_start3A_537] : memref<4x2048x1024xf32, #tpu.memory_space<hbm>> -> memref<1x16x1024xf32, #tpu.memory_space<hbm>>
    %dma_start3A_539 = tpu.memref_squeeze %dma_start3A_538 : memref<1x16x1024xf32, #tpu.memory_space<hbm>> -> memref<16x1024xf32, #tpu.memory_space<hbm>>
    %dma_start3A_540 = arith.constant 0 : i32
    %dma_start3A_541 = arith.constant 0 : i32
    %dma_start3A_542 = tpu.memref_slice %arg11[%dma_start3A_540, %dma_start3A_541] : memref<16x1024xf32, #tpu.memory_space<vmem>> -> memref<16x1024xf32, #tpu.memory_space<vmem>>
    tpu.enqueue_dma source(%dma_start3A_542 : memref<16x1024xf32, #tpu.memory_space<vmem>>) target(%dma_start3A_539 : memref<16x1024xf32, #tpu.memory_space<hbm>>) target_semaphore(%arg23 : memref<!tpu.dma_semaphore, #tpu.memory_space<semaphore_mem>>)
    %dma_wait3A_543 = arith.constant 0 : i32
    %dma_wait3A_544 = arith.constant 0 : i32
    %dma_wait3A_545 = tpu.memref_slice %arg6[%dma_wait3A_543, %dma_wait3A_544] : memref<16x1024xf32, #tpu.memory_space<vmem>> -> memref<16x1024xf32, #tpu.memory_space<vmem>>
    %dma_wait3A_546 = arith.constant 192 : i32
    %dma_wait3A_547 = tpu.memref_slice %arg5[%dma_wait3A_546] : memref<256xi32, #tpu.memory_space<vmem>> -> memref<16xi32, #tpu.memory_space<vmem>>
    %dma_wait3A_548 = arith.constant 0 : i32
    %dma_wait3A_549 = arith.constant 0 : i32
    %dma_wait3A_550 = tpu.memref_slice %arg3[%dma_wait3A_548, %dma_wait3A_549] : memref<100000x1024xf32, #tpu.memory_space<hbm>> -> memref<100000x1024xf32, #tpu.memory_space<hbm>>
    tpu.wait_indirect_dma semaphore(%arg12 : memref<!tpu.dma_semaphore, #tpu.memory_space<semaphore_mem>>) src(%dma_wait3A_550 : memref<100000x1024xf32, #tpu.memory_space<hbm>>) dst(%dma_wait3A_545 : memref<16x1024xf32, #tpu.memory_space<vmem>>)
    %add3A_551 = arith.constant 192 : i32
    %add3A_552 = arith.addi %mul3A_32, %add3A_551 : i32
    %dma_start3A_553 = arith.constant 0 : i32
    %dma_start3A_554 = arith.constant 0 : i32
    %dma_start3A_555 = tpu.memref_slice %arg6[%dma_start3A_553, %dma_start3A_554] : memref<16x1024xf32, #tpu.memory_space<vmem>> -> memref<16x1024xf32, #tpu.memory_space<vmem>>
    %dma_start3A_556 = arith.constant 0 : i32
    %dma_start3A_557 = tpu.memref_slice %arg4[%select_n3A, %add3A_552, %dma_start3A_556] : memref<4x2048x1024xf32, #tpu.memory_space<hbm>> -> memref<1x16x1024xf32, #tpu.memory_space<hbm>>
    %dma_start3A_558 = tpu.memref_squeeze %dma_start3A_557 : memref<1x16x1024xf32, #tpu.memory_space<hbm>> -> memref<16x1024xf32, #tpu.memory_space<hbm>>
    %dma_start3A_559 = arith.constant 0 : i32
    %dma_start3A_560 = tpu.memref_slice %arg4[%select_n3A, %add3A_552, %dma_start3A_559] : memref<4x2048x1024xf32, #tpu.memory_space<hbm>> -> memref<1x16x1024xf32, #tpu.memory_space<hbm>>
    %dma_start3A_561 = tpu.memref_squeeze %dma_start3A_560 : memref<1x16x1024xf32, #tpu.memory_space<hbm>> -> memref<16x1024xf32, #tpu.memory_space<hbm>>
    %dma_start3A_562 = arith.constant 0 : i32
    %dma_start3A_563 = arith.constant 0 : i32
    %dma_start3A_564 = tpu.memref_slice %arg6[%dma_start3A_562, %dma_start3A_563] : memref<16x1024xf32, #tpu.memory_space<vmem>> -> memref<16x1024xf32, #tpu.memory_space<vmem>>
    tpu.enqueue_dma source(%dma_start3A_564 : memref<16x1024xf32, #tpu.memory_space<vmem>>) target(%dma_start3A_561 : memref<16x1024xf32, #tpu.memory_space<hbm>>) target_semaphore(%arg18 : memref<!tpu.dma_semaphore, #tpu.memory_space<semaphore_mem>>)
    %dma_wait3A_565 = arith.constant 0 : i32
    %dma_wait3A_566 = arith.constant 0 : i32
    %dma_wait3A_567 = tpu.memref_slice %arg7[%dma_wait3A_565, %dma_wait3A_566] : memref<16x1024xf32, #tpu.memory_space<vmem>> -> memref<16x1024xf32, #tpu.memory_space<vmem>>
    %dma_wait3A_568 = arith.constant 208 : i32
    %dma_wait3A_569 = tpu.memref_slice %arg5[%dma_wait3A_568] : memref<256xi32, #tpu.memory_space<vmem>> -> memref<16xi32, #tpu.memory_space<vmem>>
    %dma_wait3A_570 = arith.constant 0 : i32
    %dma_wait3A_571 = arith.constant 0 : i32
    %dma_wait3A_572 = tpu.memref_slice %arg3[%dma_wait3A_570, %dma_wait3A_571] : memref<100000x1024xf32, #tpu.memory_space<hbm>> -> memref<100000x1024xf32, #tpu.memory_space<hbm>>
    tpu.wait_indirect_dma semaphore(%arg13 : memref<!tpu.dma_semaphore, #tpu.memory_space<semaphore_mem>>) src(%dma_wait3A_572 : memref<100000x1024xf32, #tpu.memory_space<hbm>>) dst(%dma_wait3A_567 : memref<16x1024xf32, #tpu.memory_space<vmem>>)
    %add3A_573 = arith.constant 208 : i32
    %add3A_574 = arith.addi %mul3A_32, %add3A_573 : i32
    %dma_start3A_575 = arith.constant 0 : i32
    %dma_start3A_576 = arith.constant 0 : i32
    %dma_start3A_577 = tpu.memref_slice %arg7[%dma_start3A_575, %dma_start3A_576] : memref<16x1024xf32, #tpu.memory_space<vmem>> -> memref<16x1024xf32, #tpu.memory_space<vmem>>
    %dma_start3A_578 = arith.constant 0 : i32
    %dma_start3A_579 = tpu.memref_slice %arg4[%select_n3A, %add3A_574, %dma_start3A_578] : memref<4x2048x1024xf32, #tpu.memory_space<hbm>> -> memref<1x16x1024xf32, #tpu.memory_space<hbm>>
    %dma_start3A_580 = tpu.memref_squeeze %dma_start3A_579 : memref<1x16x1024xf32, #tpu.memory_space<hbm>> -> memref<16x1024xf32, #tpu.memory_space<hbm>>
    %dma_start3A_581 = arith.constant 0 : i32
    %dma_start3A_582 = tpu.memref_slice %arg4[%select_n3A, %add3A_574, %dma_start3A_581] : memref<4x2048x1024xf32, #tpu.memory_space<hbm>> -> memref<1x16x1024xf32, #tpu.memory_space<hbm>>
    %dma_start3A_583 = tpu.memref_squeeze %dma_start3A_582 : memref<1x16x1024xf32, #tpu.memory_space<hbm>> -> memref<16x1024xf32, #tpu.memory_space<hbm>>
    %dma_start3A_584 = arith.constant 0 : i32
    %dma_start3A_585 = arith.constant 0 : i32
    %dma_start3A_586 = tpu.memref_slice %arg7[%dma_start3A_584, %dma_start3A_585] : memref<16x1024xf32, #tpu.memory_space<vmem>> -> memref<16x1024xf32, #tpu.memory_space<vmem>>
    tpu.enqueue_dma source(%dma_start3A_586 : memref<16x1024xf32, #tpu.memory_space<vmem>>) target(%dma_start3A_583 : memref<16x1024xf32, #tpu.memory_space<hbm>>) target_semaphore(%arg19 : memref<!tpu.dma_semaphore, #tpu.memory_space<semaphore_mem>>)
    %dma_wait3A_587 = arith.constant 0 : i32
    %dma_wait3A_588 = arith.constant 0 : i32
    %dma_wait3A_589 = tpu.memref_slice %arg8[%dma_wait3A_587, %dma_wait3A_588] : memref<16x1024xf32, #tpu.memory_space<vmem>> -> memref<16x1024xf32, #tpu.memory_space<vmem>>
    %dma_wait3A_590 = arith.constant 224 : i32
    %dma_wait3A_591 = tpu.memref_slice %arg5[%dma_wait3A_590] : memref<256xi32, #tpu.memory_space<vmem>> -> memref<16xi32, #tpu.memory_space<vmem>>
    %dma_wait3A_592 = arith.constant 0 : i32
    %dma_wait3A_593 = arith.constant 0 : i32
    %dma_wait3A_594 = tpu.memref_slice %arg3[%dma_wait3A_592, %dma_wait3A_593] : memref<100000x1024xf32, #tpu.memory_space<hbm>> -> memref<100000x1024xf32, #tpu.memory_space<hbm>>
    tpu.wait_indirect_dma semaphore(%arg14 : memref<!tpu.dma_semaphore, #tpu.memory_space<semaphore_mem>>) src(%dma_wait3A_594 : memref<100000x1024xf32, #tpu.memory_space<hbm>>) dst(%dma_wait3A_589 : memref<16x1024xf32, #tpu.memory_space<vmem>>)
    %add3A_595 = arith.constant 224 : i32
    %add3A_596 = arith.addi %mul3A_32, %add3A_595 : i32
    %dma_start3A_597 = arith.constant 0 : i32
    %dma_start3A_598 = arith.constant 0 : i32
    %dma_start3A_599 = tpu.memref_slice %arg8[%dma_start3A_597, %dma_start3A_598] : memref<16x1024xf32, #tpu.memory_space<vmem>> -> memref<16x1024xf32, #tpu.memory_space<vmem>>
    %dma_start3A_600 = arith.constant 0 : i32
    %dma_start3A_601 = tpu.memref_slice %arg4[%select_n3A, %add3A_596, %dma_start3A_600] : memref<4x2048x1024xf32, #tpu.memory_space<hbm>> -> memref<1x16x1024xf32, #tpu.memory_space<hbm>>
    %dma_start3A_602 = tpu.memref_squeeze %dma_start3A_601 : memref<1x16x1024xf32, #tpu.memory_space<hbm>> -> memref<16x1024xf32, #tpu.memory_space<hbm>>
    %dma_start3A_603 = arith.constant 0 : i32
    %dma_start3A_604 = tpu.memref_slice %arg4[%select_n3A, %add3A_596, %dma_start3A_603] : memref<4x2048x1024xf32, #tpu.memory_space<hbm>> -> memref<1x16x1024xf32, #tpu.memory_space<hbm>>
    %dma_start3A_605 = tpu.memref_squeeze %dma_start3A_604 : memref<1x16x1024xf32, #tpu.memory_space<hbm>> -> memref<16x1024xf32, #tpu.memory_space<hbm>>
    %dma_start3A_606 = arith.constant 0 : i32
    %dma_start3A_607 = arith.constant 0 : i32
    %dma_start3A_608 = tpu.memref_slice %arg8[%dma_start3A_606, %dma_start3A_607] : memref<16x1024xf32, #tpu.memory_space<vmem>> -> memref<16x1024xf32, #tpu.memory_space<vmem>>
    tpu.enqueue_dma source(%dma_start3A_608 : memref<16x1024xf32, #tpu.memory_space<vmem>>) target(%dma_start3A_605 : memref<16x1024xf32, #tpu.memory_space<hbm>>) target_semaphore(%arg20 : memref<!tpu.dma_semaphore, #tpu.memory_space<semaphore_mem>>)
    %dma_wait3A_609 = arith.constant 0 : i32
    %dma_wait3A_610 = arith.constant 0 : i32
    %dma_wait3A_611 = tpu.memref_slice %arg9[%dma_wait3A_609, %dma_wait3A_610] : memref<16x1024xf32, #tpu.memory_space<vmem>> -> memref<16x1024xf32, #tpu.memory_space<vmem>>
    %dma_wait3A_612 = arith.constant 240 : i32
    %dma_wait3A_613 = tpu.memref_slice %arg5[%dma_wait3A_612] : memref<256xi32, #tpu.memory_space<vmem>> -> memref<16xi32, #tpu.memory_space<vmem>>
    %dma_wait3A_614 = arith.constant 0 : i32
    %dma_wait3A_615 = arith.constant 0 : i32
    %dma_wait3A_616 = tpu.memref_slice %arg3[%dma_wait3A_614, %dma_wait3A_615] : memref<100000x1024xf32, #tpu.memory_space<hbm>> -> memref<100000x1024xf32, #tpu.memory_space<hbm>>
    tpu.wait_indirect_dma semaphore(%arg15 : memref<!tpu.dma_semaphore, #tpu.memory_space<semaphore_mem>>) src(%dma_wait3A_616 : memref<100000x1024xf32, #tpu.memory_space<hbm>>) dst(%dma_wait3A_611 : memref<16x1024xf32, #tpu.memory_space<vmem>>)
    %add3A_617 = arith.constant 240 : i32
    %add3A_618 = arith.addi %mul3A_32, %add3A_617 : i32
    %dma_start3A_619 = arith.constant 0 : i32
    %dma_start3A_620 = arith.constant 0 : i32
    %dma_start3A_621 = tpu.memref_slice %arg9[%dma_start3A_619, %dma_start3A_620] : memref<16x1024xf32, #tpu.memory_space<vmem>> -> memref<16x1024xf32, #tpu.memory_space<vmem>>
    %dma_start3A_622 = arith.constant 0 : i32
    %dma_start3A_623 = tpu.memref_slice %arg4[%select_n3A, %add3A_618, %dma_start3A_622] : memref<4x2048x1024xf32, #tpu.memory_space<hbm>> -> memref<1x16x1024xf32, #tpu.memory_space<hbm>>
    %dma_start3A_624 = tpu.memref_squeeze %dma_start3A_623 : memref<1x16x1024xf32, #tpu.memory_space<hbm>> -> memref<16x1024xf32, #tpu.memory_space<hbm>>
    %dma_start3A_625 = arith.constant 0 : i32
    %dma_start3A_626 = tpu.memref_slice %arg4[%select_n3A, %add3A_618, %dma_start3A_625] : memref<4x2048x1024xf32, #tpu.memory_space<hbm>> -> memref<1x16x1024xf32, #tpu.memory_space<hbm>>
    %dma_start3A_627 = tpu.memref_squeeze %dma_start3A_626 : memref<1x16x1024xf32, #tpu.memory_space<hbm>> -> memref<16x1024xf32, #tpu.memory_space<hbm>>
    %dma_start3A_628 = arith.constant 0 : i32
    %dma_start3A_629 = arith.constant 0 : i32
    %dma_start3A_630 = tpu.memref_slice %arg9[%dma_start3A_628, %dma_start3A_629] : memref<16x1024xf32, #tpu.memory_space<vmem>> -> memref<16x1024xf32, #tpu.memory_space<vmem>>
    tpu.enqueue_dma source(%dma_start3A_630 : memref<16x1024xf32, #tpu.memory_space<vmem>>) target(%dma_start3A_627 : memref<16x1024xf32, #tpu.memory_space<hbm>>) target_semaphore(%arg21 : memref<!tpu.dma_semaphore, #tpu.memory_space<semaphore_mem>>)
    %dma_wait3A_631 = arith.constant 0 : i32
    %dma_wait3A_632 = arith.constant 0 : i32
    %dma_wait3A_633 = tpu.memref_slice %arg6[%dma_wait3A_631, %dma_wait3A_632] : memref<16x1024xf32, #tpu.memory_space<vmem>> -> memref<16x1024xf32, #tpu.memory_space<vmem>>
    %dma_wait3A_634 = arith.constant 0 : i32
    %dma_wait3A_635 = tpu.memref_slice %arg4[%select_n3A, %add3A_552, %dma_wait3A_634] : memref<4x2048x1024xf32, #tpu.memory_space<hbm>> -> memref<1x16x1024xf32, #tpu.memory_space<hbm>>
    %dma_wait3A_636 = tpu.memref_squeeze %dma_wait3A_635 : memref<1x16x1024xf32, #tpu.memory_space<hbm>> -> memref<16x1024xf32, #tpu.memory_space<hbm>>
    %dma_wait3A_637 = arith.constant 0 : i32
    %dma_wait3A_638 = tpu.memref_slice %arg4[%select_n3A, %add3A_552, %dma_wait3A_637] : memref<4x2048x1024xf32, #tpu.memory_space<hbm>> -> memref<1x16x1024xf32, #tpu.memory_space<hbm>>
    %dma_wait3A_639 = tpu.memref_squeeze %dma_wait3A_638 : memref<1x16x1024xf32, #tpu.memory_space<hbm>> -> memref<16x1024xf32, #tpu.memory_space<hbm>>
    %dma_wait3A_640 = arith.constant 0 : i32
    %dma_wait3A_641 = arith.constant 0 : i32
    %dma_wait3A_642 = tpu.memref_slice %arg6[%dma_wait3A_640, %dma_wait3A_641] : memref<16x1024xf32, #tpu.memory_space<vmem>> -> memref<16x1024xf32, #tpu.memory_space<vmem>>
    tpu.wait_dma2 semaphore(%arg18 : memref<!tpu.dma_semaphore, #tpu.memory_space<semaphore_mem>>) src(%dma_wait3A_642 : memref<16x1024xf32, #tpu.memory_space<vmem>>) dst(%dma_wait3A_639 : memref<16x1024xf32, #tpu.memory_space<hbm>>)
    %dma_wait3A_643 = arith.constant 0 : i32
    %dma_wait3A_644 = arith.constant 0 : i32
    %dma_wait3A_645 = tpu.memref_slice %arg7[%dma_wait3A_643, %dma_wait3A_644] : memref<16x1024xf32, #tpu.memory_space<vmem>> -> memref<16x1024xf32, #tpu.memory_space<vmem>>
    %dma_wait3A_646 = arith.constant 0 : i32
    %dma_wait3A_647 = tpu.memref_slice %arg4[%select_n3A, %add3A_574, %dma_wait3A_646] : memref<4x2048x1024xf32, #tpu.memory_space<hbm>> -> memref<1x16x1024xf32, #tpu.memory_space<hbm>>
    %dma_wait3A_648 = tpu.memref_squeeze %dma_wait3A_647 : memref<1x16x1024xf32, #tpu.memory_space<hbm>> -> memref<16x1024xf32, #tpu.memory_space<hbm>>
    %dma_wait3A_649 = arith.constant 0 : i32
    %dma_wait3A_650 = tpu.memref_slice %arg4[%select_n3A, %add3A_574, %dma_wait3A_649] : memref<4x2048x1024xf32, #tpu.memory_space<hbm>> -> memref<1x16x1024xf32, #tpu.memory_space<hbm>>
    %dma_wait3A_651 = tpu.memref_squeeze %dma_wait3A_650 : memref<1x16x1024xf32, #tpu.memory_space<hbm>> -> memref<16x1024xf32, #tpu.memory_space<hbm>>
    %dma_wait3A_652 = arith.constant 0 : i32
    %dma_wait3A_653 = arith.constant 0 : i32
    %dma_wait3A_654 = tpu.memref_slice %arg7[%dma_wait3A_652, %dma_wait3A_653] : memref<16x1024xf32, #tpu.memory_space<vmem>> -> memref<16x1024xf32, #tpu.memory_space<vmem>>
    tpu.wait_dma2 semaphore(%arg19 : memref<!tpu.dma_semaphore, #tpu.memory_space<semaphore_mem>>) src(%dma_wait3A_654 : memref<16x1024xf32, #tpu.memory_space<vmem>>) dst(%dma_wait3A_651 : memref<16x1024xf32, #tpu.memory_space<hbm>>)
    %dma_wait3A_655 = arith.constant 0 : i32
    %dma_wait3A_656 = arith.constant 0 : i32
    %dma_wait3A_657 = tpu.memref_slice %arg8[%dma_wait3A_655, %dma_wait3A_656] : memref<16x1024xf32, #tpu.memory_space<vmem>> -> memref<16x1024xf32, #tpu.memory_space<vmem>>
    %dma_wait3A_658 = arith.constant 0 : i32
    %dma_wait3A_659 = tpu.memref_slice %arg4[%select_n3A, %add3A_596, %dma_wait3A_658] : memref<4x2048x1024xf32, #tpu.memory_space<hbm>> -> memref<1x16x1024xf32, #tpu.memory_space<hbm>>
    %dma_wait3A_660 = tpu.memref_squeeze %dma_wait3A_659 : memref<1x16x1024xf32, #tpu.memory_space<hbm>> -> memref<16x1024xf32, #tpu.memory_space<hbm>>
    %dma_wait3A_661 = arith.constant 0 : i32
    %dma_wait3A_662 = tpu.memref_slice %arg4[%select_n3A, %add3A_596, %dma_wait3A_661] : memref<4x2048x1024xf32, #tpu.memory_space<hbm>> -> memref<1x16x1024xf32, #tpu.memory_space<hbm>>
    %dma_wait3A_663 = tpu.memref_squeeze %dma_wait3A_662 : memref<1x16x1024xf32, #tpu.memory_space<hbm>> -> memref<16x1024xf32, #tpu.memory_space<hbm>>
    %dma_wait3A_664 = arith.constant 0 : i32
    %dma_wait3A_665 = arith.constant 0 : i32
    %dma_wait3A_666 = tpu.memref_slice %arg8[%dma_wait3A_664, %dma_wait3A_665] : memref<16x1024xf32, #tpu.memory_space<vmem>> -> memref<16x1024xf32, #tpu.memory_space<vmem>>
    tpu.wait_dma2 semaphore(%arg20 : memref<!tpu.dma_semaphore, #tpu.memory_space<semaphore_mem>>) src(%dma_wait3A_666 : memref<16x1024xf32, #tpu.memory_space<vmem>>) dst(%dma_wait3A_663 : memref<16x1024xf32, #tpu.memory_space<hbm>>)
    %dma_wait3A_667 = arith.constant 0 : i32
    %dma_wait3A_668 = arith.constant 0 : i32
    %dma_wait3A_669 = tpu.memref_slice %arg9[%dma_wait3A_667, %dma_wait3A_668] : memref<16x1024xf32, #tpu.memory_space<vmem>> -> memref<16x1024xf32, #tpu.memory_space<vmem>>
    %dma_wait3A_670 = arith.constant 0 : i32
    %dma_wait3A_671 = tpu.memref_slice %arg4[%select_n3A, %add3A_618, %dma_wait3A_670] : memref<4x2048x1024xf32, #tpu.memory_space<hbm>> -> memref<1x16x1024xf32, #tpu.memory_space<hbm>>
    %dma_wait3A_672 = tpu.memref_squeeze %dma_wait3A_671 : memref<1x16x1024xf32, #tpu.memory_space<hbm>> -> memref<16x1024xf32, #tpu.memory_space<hbm>>
    %dma_wait3A_673 = arith.constant 0 : i32
    %dma_wait3A_674 = tpu.memref_slice %arg4[%select_n3A, %add3A_618, %dma_wait3A_673] : memref<4x2048x1024xf32, #tpu.memory_space<hbm>> -> memref<1x16x1024xf32, #tpu.memory_space<hbm>>
    %dma_wait3A_675 = tpu.memref_squeeze %dma_wait3A_674 : memref<1x16x1024xf32, #tpu.memory_space<hbm>> -> memref<16x1024xf32, #tpu.memory_space<hbm>>
    %dma_wait3A_676 = arith.constant 0 : i32
    %dma_wait3A_677 = arith.constant 0 : i32
    %dma_wait3A_678 = tpu.memref_slice %arg9[%dma_wait3A_676, %dma_wait3A_677] : memref<16x1024xf32, #tpu.memory_space<vmem>> -> memref<16x1024xf32, #tpu.memory_space<vmem>>
    tpu.wait_dma2 semaphore(%arg21 : memref<!tpu.dma_semaphore, #tpu.memory_space<semaphore_mem>>) src(%dma_wait3A_678 : memref<16x1024xf32, #tpu.memory_space<vmem>>) dst(%dma_wait3A_675 : memref<16x1024xf32, #tpu.memory_space<hbm>>)
    %dma_wait3A_679 = arith.constant 0 : i32
    %dma_wait3A_680 = arith.constant 0 : i32
    %dma_wait3A_681 = tpu.memref_slice %arg10[%dma_wait3A_679, %dma_wait3A_680] : memref<16x1024xf32, #tpu.memory_space<vmem>> -> memref<16x1024xf32, #tpu.memory_space<vmem>>
    %dma_wait3A_682 = arith.constant 0 : i32
    %dma_wait3A_683 = tpu.memref_slice %arg4[%select_n3A, %add3A_508, %dma_wait3A_682] : memref<4x2048x1024xf32, #tpu.memory_space<hbm>> -> memref<1x16x1024xf32, #tpu.memory_space<hbm>>
    %dma_wait3A_684 = tpu.memref_squeeze %dma_wait3A_683 : memref<1x16x1024xf32, #tpu.memory_space<hbm>> -> memref<16x1024xf32, #tpu.memory_space<hbm>>
    %dma_wait3A_685 = arith.constant 0 : i32
    %dma_wait3A_686 = tpu.memref_slice %arg4[%select_n3A, %add3A_508, %dma_wait3A_685] : memref<4x2048x1024xf32, #tpu.memory_space<hbm>> -> memref<1x16x1024xf32, #tpu.memory_space<hbm>>
    %dma_wait3A_687 = tpu.memref_squeeze %dma_wait3A_686 : memref<1x16x1024xf32, #tpu.memory_space<hbm>> -> memref<16x1024xf32, #tpu.memory_space<hbm>>
    %dma_wait3A_688 = arith.constant 0 : i32
    %dma_wait3A_689 = arith.constant 0 : i32
    %dma_wait3A_690 = tpu.memref_slice %arg10[%dma_wait3A_688, %dma_wait3A_689] : memref<16x1024xf32, #tpu.memory_space<vmem>> -> memref<16x1024xf32, #tpu.memory_space<vmem>>
    tpu.wait_dma2 semaphore(%arg22 : memref<!tpu.dma_semaphore, #tpu.memory_space<semaphore_mem>>) src(%dma_wait3A_690 : memref<16x1024xf32, #tpu.memory_space<vmem>>) dst(%dma_wait3A_687 : memref<16x1024xf32, #tpu.memory_space<hbm>>)
    %dma_wait3A_691 = arith.constant 0 : i32
    %dma_wait3A_692 = arith.constant 0 : i32
    %dma_wait3A_693 = tpu.memref_slice %arg11[%dma_wait3A_691, %dma_wait3A_692] : memref<16x1024xf32, #tpu.memory_space<vmem>> -> memref<16x1024xf32, #tpu.memory_space<vmem>>
    %dma_wait3A_694 = arith.constant 0 : i32
    %dma_wait3A_695 = tpu.memref_slice %arg4[%select_n3A, %add3A_530, %dma_wait3A_694] : memref<4x2048x1024xf32, #tpu.memory_space<hbm>> -> memref<1x16x1024xf32, #tpu.memory_space<hbm>>
    %dma_wait3A_696 = tpu.memref_squeeze %dma_wait3A_695 : memref<1x16x1024xf32, #tpu.memory_space<hbm>> -> memref<16x1024xf32, #tpu.memory_space<hbm>>
    %dma_wait3A_697 = arith.constant 0 : i32
    %dma_wait3A_698 = tpu.memref_slice %arg4[%select_n3A, %add3A_530, %dma_wait3A_697] : memref<4x2048x1024xf32, #tpu.memory_space<hbm>> -> memref<1x16x1024xf32, #tpu.memory_space<hbm>>
    %dma_wait3A_699 = tpu.memref_squeeze %dma_wait3A_698 : memref<1x16x1024xf32, #tpu.memory_space<hbm>> -> memref<16x1024xf32, #tpu.memory_space<hbm>>
    %dma_wait3A_700 = arith.constant 0 : i32
    %dma_wait3A_701 = arith.constant 0 : i32
    %dma_wait3A_702 = tpu.memref_slice %arg11[%dma_wait3A_700, %dma_wait3A_701] : memref<16x1024xf32, #tpu.memory_space<vmem>> -> memref<16x1024xf32, #tpu.memory_space<vmem>>
    tpu.wait_dma2 semaphore(%arg23 : memref<!tpu.dma_semaphore, #tpu.memory_space<semaphore_mem>>) src(%dma_wait3A_702 : memref<16x1024xf32, #tpu.memory_space<vmem>>) dst(%dma_wait3A_699 : memref<16x1024xf32, #tpu.memory_space<hbm>>)
    return
  }
}

</mosaic_0001>

<sc_bundles>
// kernel: kernel.3.cloned.1.call-start
scs
__scs_entry_jumppad:
0x0: {  	(pc) =	sbr.rel $0x88, $3  }
0x1: {  	(tag) =	ssettag $0x0;
	lr =	simm.s32 $0x1  }
0x2: {  	[smem:$0x3F9F] =	sst lr;
	_ =	strace $0xD0000000  }
0x3: {  	_ = 	snop  }
0x4: {  	_ = 	snop  }
0x5: {  	_ = 	snop  }
0x6: {  	_ = 	snop  }
0x7: {  	_ = 	snop  }
__scs_overlays_trampoline_lowered:
0x8: {  	[smem:$0x3FAE] =	sst s0  }
0x9: {  	[smem:$0x3FAF] =	sst s1  }
0xa: {  	[smem:$0x3FB0] =	sst s2  }
0xb: {  	[smem:$0x3FB1] =	sst s3  }
0xc: {  	[smem:$0x3FB2] =	sst s4  }
0xd: {  	[smem:$0x3FB3] =	sst s5  }
0xe: {  	[smem:$0x3FB4] =	sst s6  }
0xf: {  	[smem:$0x3FB5] =	sst s7  }
0x10: {  	[smem:$0x3FB6] =	sst s8  }
0x11: {  	[smem:$0x3FB7] =	sst s9;
	s0 =	simm.s32 @!p0 $0x0  }
0x12: {  	s1 =	sld [smem:$0x3F9D];
	s0 =	simm.s32 @p0 $0x1  }
0x13: {  	[smem:$0x3FB8] =	sst s0;
	s0 =	simm.s32 @!p1 $0x0  }
0x14: {  	s2 =	sld [smem:$0x3F9C];
	s0 =	simm.s32 @p1 $0x1  }
0x15: {  	[smem:$0x3FB9] =	sst s0;
	s0 =	simm.s32 @!p2 $0x0  }
0x16: {  	s3 =	sld [smem:$0x3FDB];
	s0 =	simm.s32 @p2 $0x1  }
0x17: {  	s4 =	simm.s32 $0x1BF5;
	[smem:$0x3FBB] =	sst s0  }
0x18: {  	s0 =	sld [smem:$0x3F9E];
	_ =	swait.ge [sflag:s4], $0x0  }
0x19: {  	s7 =	sld [smem:$0x3F9F]  }
0x1a: {  	s8 =	sadd.s32 $0xFFFFE003, lr  }
0x1b: {  	s9 =	sadd.s32 $0xFFFFFEF7, lr;
	s5 =	simm.s32 $0xFFFFFFFF;
	p2 =	slt.u32 s8, $0xFFFFF086  }
0x1c: {  	p1 =	slt.u32 s9, $0xF7A;
	s5 =	simm.s32 @!p2 $0x0  }
0x1d: {  	s5 =	simm.s32 @p1 $0x1;
	p0 =	seq.s32 s7, s2  }
0x1e: {  	s7 =	smul.u32 @!p0 $0xF7A, s2;
	p2 =	seq.s32 @!p0 s5, $0x0  }
0x1f: {  	s9 =	smul.u32 $0xF7A, s1;
	s8 =	simm.s32 @!p0 $0x1BF5;
	p2 =	por !p2, p0  }
0x20: {  	[sflag:s8] =	ssyncset.s32 @!p0 $0xFFFFF086;
	s6 =	sadd.s32 @!p0 s3, s7;
	s7 =	simm.s32 @!p0 $0x108  }
0x21: {  	s3 =	sadd.s32 s3, s9;
	s6 =	sadd.s32 @!p0 $0x88, s6;
	s7 =	simm.s32 @p2 $0x1082  }
0x22: {  	[simem:s7], [sflag:s8] =	dma.local @!p0 [hbm:s6], $0xF7A  }
0x23: {  	s9 =	sor.u32 $0xD0000000, s2;
	s6 =	simm.s32 $0x108;
	_ =	swait.ge @!p0 [sflag:s8], $0x0  }
0x24: {  	s3 =	sadd.s32 $0x88, s3;
	s6 =	simm.s32 @!p1 $0x1082;
	[sflag:s4] =	ssyncset.s32 $0xFFFFF086  }
0x25: {  	[simem:s6], [sflag:s4] =	dma.local [hbm:s3], $0xF7A  }
0x26: {  	[smem:$0x3F9F] =	sst s1;
	(tag) =	ssettag s2;
	_ =	strace s9  }
0x27: {  	s1 =	sld [smem:$0x3FAF]  }
0x28: {  	s2 =	sld [smem:$0x3FB0]  }
0x29: {  	s4 =	sld [smem:$0x3FB2]  }
0x2a: {  	p0 =	seq.s32 s5, $0x0;
	s5 =	sld [smem:$0x3FB3]  }
0x2b: {  	s6 =	sld [smem:$0x3FB4]  }
0x2c: {  	s7 =	sld [smem:$0x3FB5]  }
0x2d: {  	s3 =	simm.s32 $0x108;
	s8 =	sld [smem:$0x3FB6]  }
0x2e: {  	s3 =	simm.s32 @!p0 $0x1082;
	s9 =	sld [smem:$0x3FB7]  }
0x2f: {  	lr =	sadd.s32 s0, s3;
	s0 =	sld [smem:$0x3FAE]  }
0x30: {  	s3 =	sld [smem:$0x3FB1]  }
0x31: {  	[smem:$0x3FBA] =	sst s10  }
0x32: {  	s10 =	sld [smem:$0x3FB8];
	_ =	sdelay $0x3  }
0x33: {  	p0 =	seq.s32 s10, $0x1;
	s10 =	sld [smem:$0x3FBA];
	_ =	sdelay $0x3  }
0x34: {  	[smem:$0x3FBA] =	sst s10  }
0x35: {  	s10 =	sld [smem:$0x3FB9];
	_ =	sdelay $0x3  }
0x36: {  	p1 =	seq.s32 s10, $0x1;
	s10 =	sld [smem:$0x3FBA];
	_ =	sdelay $0x3  }
0x37: {  	[smem:$0x3FBA] =	sst s10  }
0x38: {  	s10 =	sld [smem:$0x3FBB]  }
0x39: {  	_ = 	snop;
	(pc) =	sbr.ind lr, $3  }
0x3a: {  	_ = 	snop  }
0x3b: {  	_ = 	snop  }
0x3c: {  	p2 =	seq.s32 s10, $0x1;
	s10 =	sld [smem:$0x3FBA]  }
0x3d: {  	_ =	shalt  }
0x3e: {  	_ =	shalt  }
0x3f: {  	_ =	shalt  }
0x40: {  	_ =	shalt  }
0x41: {  	_ =	shalt  }
0x42: {  	_ =	shalt  }
0x43: {  	_ =	shalt  }
0x44: {  	_ =	shalt  }
0x45: {  	_ =	shalt  }
0x46: {  	_ =	shalt  }
0x47: {  	_ =	shalt  }
0x48: {  	_ =	shalt  }
0x49: {  	_ =	shalt  }
0x4a: {  	_ =	shalt  }
0x4b: {  	_ =	shalt  }
0x4c: {  	_ =	shalt  }
0x4d: {  	_ =	shalt  }
0x4e: {  	_ =	shalt  }
0x4f: {  	_ =	shalt  }
0x50: {  	_ =	shalt  }
0x51: {  	_ =	shalt  }
0x52: {  	_ =	shalt  }
0x53: {  	_ =	shalt  }
0x54: {  	_ =	shalt  }
0x55: {  	_ =	shalt  }
0x56: {  	_ =	shalt  }
0x57: {  	_ =	shalt  }
0x58: {  	_ =	shalt  }
0x59: {  	_ =	shalt  }
0x5a: {  	_ =	shalt  }
0x5b: {  	_ =	shalt  }
0x5c: {  	_ =	shalt  }
0x5d: {  	_ =	shalt  }
0x5e: {  	_ =	shalt  }
0x5f: {  	_ =	shalt  }
0x60: {  	_ =	shalt  }
0x61: {  	_ =	shalt  }
0x62: {  	_ =	shalt  }
0x63: {  	_ =	shalt  }
0x64: {  	_ =	shalt  }
0x65: {  	_ =	shalt  }
0x66: {  	_ =	shalt  }
0x67: {  	_ =	shalt  }
0x68: {  	_ =	shalt  }
0x69: {  	_ =	shalt  }
0x6a: {  	_ =	shalt  }
0x6b: {  	_ =	shalt  }
0x6c: {  	_ =	shalt  }
0x6d: {  	_ =	shalt  }
0x6e: {  	_ =	shalt  }
0x6f: {  	_ =	shalt  }
0x70: {  	_ =	shalt  }
0x71: {  	_ =	shalt  }
0x72: {  	_ =	shalt  }
0x73: {  	_ =	shalt  }
0x74: {  	_ =	shalt  }
0x75: {  	_ =	shalt  }
0x76: {  	_ =	shalt  }
0x77: {  	_ =	shalt  }
0x78: {  	_ =	shalt  }
0x79: {  	_ =	shalt  }
0x7a: {  	_ =	shalt  }
0x7b: {  	_ =	shalt  }
0x7c: {  	_ =	shalt  }
0x7d: {  	_ =	shalt  }
0x7e: {  	_ =	shalt  }
0x7f: {  	_ =	shalt  }
0x80: {  	_ =	shalt  }
0x81: {  	_ =	shalt  }
0x82: {  	_ =	shalt  }
0x83: {  	_ =	shalt  }
0x84: {  	_ =	shalt  }
0x85: {  	_ =	shalt  }
0x86: {  	_ =	shalt  }
0x87: {  	_ =	shalt  }
.Lfunc_end0:
.L_simem_size_0:
called_computation_lowered:
.L_overlay_start_0:
0x88: {  	s2 =	sld [smem:$0x3FD9]  }
0x89: {  	s3 =	sld [smem:$0x3FFE];
	_ =	sdelay $0x1  }
0x8a: {  	s1 =	srdreg.scid  }
0x8b: {  	s0 =	sand.u32 $0x1, s1  }
0x8c: {  	s18 =	sshll.u32 s0, $0xA;
	s2 =	sadd.s32 s3, s2  }
0x8d: {  	s2 =	sadd.s32 s2, s18  }
0x8e: {  	[smem:$0x3FC6] =	sst s2  }
0x8f: {  	_ = 	snop  }
0x90: {  	s2 =	sld [smem:$0x3FC9]  }
0x91: {  	s19 =	sld [smem:$0x3FC8]  }
0x92: {  	s4 =	sld [smem:$0x3FD0];
	(tm) =	ssettm $0x1  }
0x93: {  	s5 =	sld [smem:$0x3FFB];
	_ =	sdelay $0x3  }
0x94: {  	_ =	strace s5  }
0x95: {  	s5 =	sld [smem:$0x3FFC];
	_ =	sdelay $0x3  }
0x96: {  	_ =	strace s5  }
0x97: {  	s5 =	sld [smem:$0x3FFD];
	_ =	sdelay $0x3  }
0x98: {  	_ =	strace s5  }
0x99: {  	_ =	strace $0x8FFFFFFF  }
0x9a: {  	s20 =	sld [smem:$0x3FDB];
	_ =	sdelay $0x1  }
0x9b: {  	s6 =	simm.s32 $_scs_section_size  }
0x9c: {  	s7 =	simm.s32 $_size__tile_overlayer_lowered;
	s8 =	simm.s32 $_tile_overlayer_lowered  }
0x9d: {  	s23 =	simm.s32 $0x1BFF;
	s22 =	sshll.u32 s8, $0x1;
	s5 =	sadd.s32 s6, s20  }
0x9e: {  	s9 =	simm.s32 $0x0;
	s21 =	sshll.u32 s7, $0x1;
	s7 =	sadd.s32 s22, s5  }
0x9f: {  	[timem:s9], [sflag:s23] =	dma.local [hbm:s7], s21  }
0xa0: {  	_ =	swait.ge [sflag:s23], s21  }
0xa1: {  	s6 =	ssub.s32 $0x0, s21;
	[sflag:s23] =	ssyncset.done $0x0  }
0xa2: {  	[sflag:s23] =	ssyncadd.s32 s6;
	_ =	sdelay $0x1  }
0xa3: {  	s24 =	simm.s32 $0x1B8B  }
0xa4: {  	_ =	swait.ge [sflag:s24], $0x1  }
0xa5: {  	[sflag:s24] =	ssyncset.done $0x0  }
0xa6: {  	s25 =	simm.s32 $0x1B8E;
	[sflag:s24] =	ssyncadd.s32 $0xFFFFFFFF  }
0xa7: {  	s26 =	simm.s32 $execute0_lowered;
	[smem:$0x3FD2] =	sst s25  }
0xa8: {  	s6 =	sshll.u32 s26, $0x1;
	_ =	strace $0x80000046;
	[dreg:$0x1] =	wrdreg $0xFFFFFFFF  }
0xa9: {  	s28 =	simm.s32 $_size_execute0_lowered;
	s5 =	sadd.s32 s5, s6;
	[dreg:$0x0] =	wrdreg $0x0  }
0xaa: {  	s6 =	sshll.u32 s28, $0x1;
	[dreg:$0x2] =	wrdreg s5  }
0xab: {  	[dreg:$0x3] =	wrdreg s6  }
0xac: {  	[dreg:$0x4] =	wrdreg $0xC0  }
0xad: {  	_ =	task [dreg:s9], $0x5FFFF  }
0xae: {  	[dreg:$0x1] =	wrdreg $0xFFFFFFFF  }
0xaf: {  	[dreg:$0x0] =	wrdreg $0x60  }
0xb0: {  	[dreg:$0x2] =	wrdreg s2  }
0xb1: {  	[dreg:$0x3] =	wrdreg s19  }
0xb2: {  	[dreg:$0x4] =	wrdreg s4  }
0xb3: {  	[dreg:$0x5] =	wrdreg $0x9  }
0xb4: {  	_ =	task.clear_ibuf [dreg:s9], $0x6FFFF;
	_ =	strace $0x90000046  }
0xb5: {  	s29 =	simm.s32 $0x9;
	_ =	strace $0x80000048  }
0xb6: {  	_ =	swait.ge [sflag:s29], $0x1  }
0xb7: {  	[sflag:s29] =	ssyncadd.s32 $0xFFFFFFFF  }
0xb8: {  	_ =	strace $0x90000048  }
0xb9: {  	_ =	sfence  }
0xba: {  	s30 =	sld [smem:$0x0];
	_ =	sdelay $0x2  }
0xbb: {  	s31 =	sshll.u32 s1, $0xD;
	s1 =	sshrl.u32 s1, $0x2  }
0xbc: {  	s3 =	sand.u32 $0x4000, s31;
	s1 =	sadd.s32 s1, s30  }
0xbd: {  	s0 =	sor.u32 s3, s0;
	s1 =	sshll.u32 s1, $0x11  }
0xbe: {  	s0 =	sor.u32 s1, s0  }
0xbf: {  	s0 =	sadd.s32 $0x8F2B, s0  }
0xc0: {  	[sflag:s0] =	ssyncadd.remote.s32 $0x1  }
0xc1: {  	_ =	sfence.sel $0xFFFF  }
0xc2: {  	[dreg:$0x0] =	wrdreg $0xFFFFFFFF;
	(pc) =	sbr.abs _section_cstart, $3  }
0xc3: {  	[dreg:$0x1] =	wrdreg $0xFFFFFFFF  }
0xc4: {  	_ =	task.clear_ibuf [dreg:s9], $0x2FFFF;
	_ =	strace $0x9FFFFFFF  }
0xc5: {  	(tm) =	ssettm $0x7FFFFFFF  }
tec
execute0_lowered:
.L_overlay_start_1:
0x0: {  	(tag) =	ssettag $0x1  }
0x1: {  	s0 =	rddreg [dreg:$0x0]  }
0x2: {  	s2 =	rddreg [dreg:$0x1]  }
0x3: {  	s1 =	rddreg [dreg:$0x2]  }
0x4: {  	s6 =	stileid.u32;
	s4 =	srdreg.scid;
	s3 =	simm.s32 $0x0  }
0x5: {  	s25 =	simm.s32 $0x80;
	s26 =	simm.s32 $0x200;
	s5 =	sshll.u32 s6, $0x1  }
0x6: {  	s4 =	sand.u32 $0x1, s4;
	[smem:$0x7FF] =	sst s3;
	s6 =	sshrl.u32 s6, $0x2  }
0x7: {  	s5 =	sand.u32 $0x6, s5;
	s8 =	sshll.u32 s6, $0x4;
	s6 =	sshll.u32 s6, $0x12  }
0x8: {  	_ =	strace $0x80000047;
	[dreg:$0x14] =	wrdreg s25;
	s5 =	sor.u32 s4, s5  }
0x9: {  	s0 =	sadd.s32 s0, s8;
	s7 =	sshll.u32 s5, $0xF;
	s5 =	sshll.u32 s5, $0x7  }
0xa: {  	[dreg:$0x15] =	wrdreg s26;
	s6 =	sor.u32 s6, s7;
	s0 =	sadd.s32 s5, s0  }
0xb: {  	s6 =	sadd.s32 s1, s6;
	[dreg:$0x4] =	wrdreg s0  }
0xc: {  	s9 =	sadd.s32 $0x800, s6;
	[dreg:$0x16] =	wrdreg s6  }
0xd: {  	s28 =	simm.s32 $0x9;
	s10 =	sadd.s32 $0x1000, s6;
	[dreg:$0x5] =	wrdreg s9  }
0xe: {  	s29 =	simm.s32 $0x4;
	s11 =	sadd.s32 $0x1800, s6;
	[dreg:$0x6] =	wrdreg s10  }
0xf: {  	s30 =	simm.s32 $0xA;
	s12 =	sadd.s32 $0x2000, s6;
	[dreg:$0x7] =	wrdreg s11  }
0x10: {  	s31 =	simm.s32 $0x11100;
	s13 =	sadd.s32 $0x2800, s6;
	[dreg:$0x8] =	wrdreg s12  }
0x11: {  	s20 =	ssub.s32 $0x2, s4;
	s14 =	sadd.s32 $0x3000, s6;
	[dreg:$0x9] =	wrdreg s13  }
0x12: {  	s25 =	simm.s32 $0x3;
	s15 =	sadd.s32 $0x3800, s6;
	[dreg:$0xa] =	wrdreg s14  }
0x13: {  	s26 =	simm.s32 $0x4100;
	s16 =	sadd.s32 $0x4000, s6;
	[dreg:$0xb] =	wrdreg s15  }
0x14: {  	s4 =	sshrl.u32 s20, $0x1;
	s17 =	sadd.s32 $0x4800, s6;
	[dreg:$0xc] =	wrdreg s16  }
0x15: {  	s5 =	sadd.s32 $0x100, s2;
	s18 =	sadd.s32 $0x5000, s6;
	[dreg:$0xd] =	wrdreg s17  }
0x16: {  	s7 =	sadd.s32 $0x300, s2;
	s19 =	sadd.s32 $0x5800, s6;
	[dreg:$0xe] =	wrdreg s18  }
0x17: {  	s1 =	ssub.s32 s20, s4;
	s21 =	sadd.s32 $0x6000, s6;
	[dreg:$0xf] =	wrdreg s19  }
0x18: {  	s4 =	simm.s32 $0x8100;
	s22 =	sadd.s32 $0x6800, s6;
	[dreg:$0x10] =	wrdreg s21  }
0x19: {  	s20 =	simm.s32 $0x10900;
	s23 =	sadd.s32 $0x7000, s6;
	[dreg:$0x11] =	wrdreg s22  }
0x1a: {  	s24 =	sadd.s32 $0x7800, s6;
	s6 =	sadd.s32 $0x200, s2;
	[dreg:$0x12] =	wrdreg s23  }
0x1b: {  	s8 =	smax.u32 s1, $0x1;
	[dreg:$0x13] =	wrdreg s24;
	s16 =	simm.s32 $0x1  }
0x1c: {  	v2 =	vlaneseq.u32;
	s22 =	simm.s32 $0x7;
	s23 =	simm.s32 $0x2;
	s24 =	simm.s32 $0x8  }
0x1d: {  	vm0 =	vmmov $0xffff;
	v1 =	vshrl.u32 v2, $0x3;
	s18 =	simm.s32 $0x100;
	s9 =	simm.s32 $0xC100;
	s14 =	simm.s32 $0x11900  }
0x1e: {  	v0 =	vand.u32 $0x7, v2;
	v2 =	vor.u32 $0x8, v2;
	v1 =	vmul.u32 $0x8, v1;
	s15 =	simm.s32 $0x12100;
	s17 =	simm.s32 $0x16100;
	s19 =	simm.s32 $0x16900  }
.LBB2_1:
0x1f: {  	s11 =	rddreg [dreg:$0x4]  }
0x20: {  	s12 =	rddreg [dreg:$0x14]  }
0x21: {  	s13 =	rddreg [dreg:$0x15];
	s10 =	simm.s32 $0xD  }
0x22: {  	[tilespmem:s3], [sflag:$0xD] =	stream.strided.gather [hbm4b:s11+s12], $0x100, s13, s12, $0x38;
	[tilespmem:$0x18100] =	vst v63  }
0x23: {  	_ =	swait.ge [sflag:s10], $0x100  }
0x24: {  	[sflag:s10] =	ssyncset.done $0x0  }
0x25: {  	[sflag:s10] =	ssyncadd.s32 $0xFFFFFF00  }
0x26: {  	v3 =	vld [tilespmem:$0x0];
	_ =	sdelay $0x4  }
0x27: {  	v4 =	vshll.u32 v3, $0x3  }
0x28: {  	v3 =	vand.u32 $0x7, v3;
	v4 =	vand.u32 $0xFFFFFFC0, v4  }
0x29: {  	v3 =	vor.u32 v3, v4  }
0x2a: {  	v4 =	vperm.xlane v3, v0;
	_ =	sdelay $0x1  }
0x2b: {  	v4 =	vadd.s32 v1, v4;
	_ =	sdelay $0x4  }
0x2c: {  	[tilespmem:s18], [sflag:$0x1] =	stream.indirect_vreg.gather [hbm4b:s2+s3], $0x80, v4, vm0, $0xb8;
	[tilespmem:$0x18100] =	vst v63  }
0x2d: {  	s0 =	simm.s32 $0x900;
	v3 =	vperm.xlane v3, v2  }
0x2e: {  	[tilespmem:s0], [sflag:$0x1] =	stream.indirect_vreg.gather [hbm4b:s5+s3], $0x80, v4, vm0, $0xb8;
	[tilespmem:$0x18100] =	vst v63  }
0x2f: {  	s12 =	simm.s32 $0x1100;
	v3 =	vadd.s32 v1, v3  }
0x30: {  	[tilespmem:s12], [sflag:$0x1] =	stream.indirect_vreg.gather [hbm4b:s6+s3], $0x80, v4, vm0, $0xb8;
	[tilespmem:$0x18100] =	vst v63  }
0x31: {  	s13 =	simm.s32 $0x1900  }
0x32: {  	[tilespmem:s13], [sflag:$0x1] =	stream.indirect_vreg.gather [hbm4b:s7+s3], $0x80, v4, vm0, $0xb8;
	[tilespmem:$0x18100] =	vst v63  }
0x33: {  	s21 =	simm.s32 $0x2100  }
0x34: {  	[tilespmem:s21], [sflag:$0x1] =	stream.indirect_vreg.gather [hbm4b:s2+s3], $0x80, v3, vm0, $0xb8;
	[tilespmem:$0x18100] =	vst v63  }
0x35: {  	s10 =	simm.s32 $0x2900  }
0x36: {  	[tilespmem:s10], [sflag:$0x1] =	stream.indirect_vreg.gather [hbm4b:s5+s3], $0x80, v3, vm0, $0xb8;
	[tilespmem:$0x18100] =	vst v63  }
0x37: {  	s11 =	simm.s32 $0x3100  }
0x38: {  	[tilespmem:s11], [sflag:$0x1] =	stream.indirect_vreg.gather [hbm4b:s6+s3], $0x80, v3, vm0, $0xb8;
	[tilespmem:$0x18100] =	vst v63  }
0x39: {  	s12 =	simm.s32 $0x3900  }
0x3a: {  	[tilespmem:s12], [sflag:$0x1] =	stream.indirect_vreg.gather [hbm4b:s7+s3], $0x80, v3, vm0, $0xb8;
	[tilespmem:$0x18100] =	vst v63  }
0x3b: {  	v3 =	vld [tilespmem:$0x10];
	_ =	sdelay $0x4  }
0x3c: {  	v49 =	vshll.u32 v3, $0x3  }
0x3d: {  	v3 =	vand.u32 $0x7, v3;
	v4 =	vand.u32 $0xFFFFFFC0, v49  }
0x3e: {  	v3 =	vor.u32 v3, v4  }
0x3f: {  	v4 =	vperm.xlane v3, v0;
	_ =	sdelay $0x1  }
0x40: {  	v4 =	vadd.s32 v1, v4;
	_ =	sdelay $0x4  }
0x41: {  	[tilespmem:s26], [sflag:$0x2] =	stream.indirect_vreg.gather [hbm4b:s2+s3], $0x80, v4, vm0, $0xb8;
	[tilespmem:$0x18100] =	vst v63  }
0x42: {  	s13 =	simm.s32 $0x4900;
	v3 =	vperm.xlane v3, v2  }
0x43: {  	[tilespmem:s13], [sflag:$0x2] =	stream.indirect_vreg.gather [hbm4b:s5+s3], $0x80, v4, vm0, $0xb8;
	[tilespmem:$0x18100] =	vst v63  }
0x44: {  	s10 =	simm.s32 $0x5100;
	v3 =	vadd.s32 v1, v3  }
0x45: {  	[tilespmem:s10], [sflag:$0x2] =	stream.indirect_vreg.gather [hbm4b:s6+s3], $0x80, v4, vm0, $0xb8;
	[tilespmem:$0x18100] =	vst v63  }
0x46: {  	s11 =	simm.s32 $0x5900  }
0x47: {  	[tilespmem:s11], [sflag:$0x2] =	stream.indirect_vreg.gather [hbm4b:s7+s3], $0x80, v4, vm0, $0xb8;
	[tilespmem:$0x18100] =	vst v63  }
0x48: {  	s12 =	simm.s32 $0x6100  }
0x49: {  	[tilespmem:s12], [sflag:$0x2] =	stream.indirect_vreg.gather [hbm4b:s2+s3], $0x80, v3, vm0, $0xb8;
	[tilespmem:$0x18100] =	vst v63  }
0x4a: {  	s13 =	simm.s32 $0x6900  }
0x4b: {  	[tilespmem:s13], [sflag:$0x2] =	stream.indirect_vreg.gather [hbm4b:s5+s3], $0x80, v3, vm0, $0xb8;
	[tilespmem:$0x18100] =	vst v63  }
0x4c: {  	s10 =	simm.s32 $0x7100  }
0x4d: {  	[tilespmem:s10], [sflag:$0x2] =	stream.indirect_vreg.gather [hbm4b:s6+s3], $0x80, v3, vm0, $0xb8;
	[tilespmem:$0x18100] =	vst v63  }
0x4e: {  	s11 =	simm.s32 $0x7900  }
0x4f: {  	[tilespmem:s11], [sflag:$0x2] =	stream.indirect_vreg.gather [hbm4b:s7+s3], $0x80, v3, vm0, $0xb8;
	[tilespmem:$0x18100] =	vst v63  }
0x50: {  	v3 =	vld [tilespmem:$0x20];
	_ =	sdelay $0x4  }
0x51: {  	v50 =	vshll.u32 v3, $0x3  }
0x52: {  	v3 =	vand.u32 $0x7, v3;
	v4 =	vand.u32 $0xFFFFFFC0, v50  }
0x53: {  	v3 =	vor.u32 v3, v4  }
0x54: {  	v4 =	vperm.xlane v3, v0;
	_ =	sdelay $0x1  }
0x55: {  	v4 =	vadd.s32 v1, v4;
	_ =	sdelay $0x4  }
0x56: {  	[tilespmem:s4], [sflag:$0x3] =	stream.indirect_vreg.gather [hbm4b:s2+s3], $0x80, v4, vm0, $0xb8;
	[tilespmem:$0x18100] =	vst v63  }
0x57: {  	s12 =	simm.s32 $0x8900;
	v3 =	vperm.xlane v3, v2  }
0x58: {  	[tilespmem:s12], [sflag:$0x3] =	stream.indirect_vreg.gather [hbm4b:s5+s3], $0x80, v4, vm0, $0xb8;
	[tilespmem:$0x18100] =	vst v63  }
0x59: {  	s13 =	simm.s32 $0x9100;
	v3 =	vadd.s32 v1, v3  }
0x5a: {  	[tilespmem:s13], [sflag:$0x3] =	stream.indirect_vreg.gather [hbm4b:s6+s3], $0x80, v4, vm0, $0xb8;
	[tilespmem:$0x18100] =	vst v63  }
0x5b: {  	s10 =	simm.s32 $0x9900  }
0x5c: {  	[tilespmem:s10], [sflag:$0x3] =	stream.indirect_vreg.gather [hbm4b:s7+s3], $0x80, v4, vm0, $0xb8;
	[tilespmem:$0x18100] =	vst v63  }
0x5d: {  	s11 =	simm.s32 $0xA100  }
0x5e: {  	[tilespmem:s11], [sflag:$0x3] =	stream.indirect_vreg.gather [hbm4b:s2+s3], $0x80, v3, vm0, $0xb8;
	[tilespmem:$0x18100] =	vst v63  }
0x5f: {  	s12 =	simm.s32 $0xA900  }
0x60: {  	[tilespmem:s12], [sflag:$0x3] =	stream.indirect_vreg.gather [hbm4b:s5+s3], $0x80, v3, vm0, $0xb8;
	[tilespmem:$0x18100] =	vst v63  }
0x61: {  	s13 =	simm.s32 $0xB100  }
0x62: {  	[tilespmem:s13], [sflag:$0x3] =	stream.indirect_vreg.gather [hbm4b:s6+s3], $0x80, v3, vm0, $0xb8;
	[tilespmem:$0x18100] =	vst v63  }
0x63: {  	s10 =	simm.s32 $0xB900  }
0x64: {  	[tilespmem:s10], [sflag:$0x3] =	stream.indirect_vreg.gather [hbm4b:s7+s3], $0x80, v3, vm0, $0xb8;
	[tilespmem:$0x18100] =	vst v63  }
0x65: {  	v3 =	vld [tilespmem:$0x30];
	_ =	sdelay $0x4  }
0x66: {  	v51 =	vshll.u32 v3, $0x3  }
0x67: {  	v3 =	vand.u32 $0x7, v3;
	v4 =	vand.u32 $0xFFFFFFC0, v51  }
0x68: {  	v3 =	vor.u32 v3, v4  }
0x69: {  	v4 =	vperm.xlane v3, v0;
	_ =	sdelay $0x1  }
0x6a: {  	v4 =	vadd.s32 v1, v4;
	_ =	sdelay $0x4  }
0x6b: {  	[tilespmem:s9], [sflag:$0x4] =	stream.indirect_vreg.gather [hbm4b:s2+s3], $0x80, v4, vm0, $0xb8;
	[tilespmem:$0x18100] =	vst v63  }
0x6c: {  	s11 =	simm.s32 $0xC900;
	v3 =	vperm.xlane v3, v2  }
0x6d: {  	[tilespmem:s11], [sflag:$0x4] =	stream.indirect_vreg.gather [hbm4b:s5+s3], $0x80, v4, vm0, $0xb8;
	[tilespmem:$0x18100] =	vst v63  }
0x6e: {  	s12 =	simm.s32 $0xD100;
	v3 =	vadd.s32 v1, v3  }
0x6f: {  	[tilespmem:s12], [sflag:$0x4] =	stream.indirect_vreg.gather [hbm4b:s6+s3], $0x80, v4, vm0, $0xb8;
	[tilespmem:$0x18100] =	vst v63  }
0x70: {  	s13 =	simm.s32 $0xD900  }
0x71: {  	[tilespmem:s13], [sflag:$0x4] =	stream.indirect_vreg.gather [hbm4b:s7+s3], $0x80, v4, vm0, $0xb8;
	[tilespmem:$0x18100] =	vst v63  }
0x72: {  	s10 =	simm.s32 $0xE100  }
0x73: {  	[tilespmem:s10], [sflag:$0x4] =	stream.indirect_vreg.gather [hbm4b:s2+s3], $0x80, v3, vm0, $0xb8;
	[tilespmem:$0x18100] =	vst v63  }
0x74: {  	s11 =	simm.s32 $0xE900  }
0x75: {  	[tilespmem:s11], [sflag:$0x4] =	stream.indirect_vreg.gather [hbm4b:s5+s3], $0x80, v3, vm0, $0xb8;
	[tilespmem:$0x18100] =	vst v63  }
0x76: {  	s12 =	simm.s32 $0xF100  }
0x77: {  	[tilespmem:s12], [sflag:$0x4] =	stream.indirect_vreg.gather [hbm4b:s6+s3], $0x80, v3, vm0, $0xb8;
	[tilespmem:$0x18100] =	vst v63  }
0x78: {  	s13 =	simm.s32 $0xF900  }
0x79: {  	[tilespmem:s13], [sflag:$0x4] =	stream.indirect_vreg.gather [hbm4b:s7+s3], $0x80, v3, vm0, $0xb8;
	[tilespmem:$0x18100] =	vst v63  }
0x7a: {  	v3 =	vld [tilespmem:$0x40];
	_ =	sdelay $0x4  }
0x7b: {  	v52 =	vshll.u32 v3, $0x3  }
0x7c: {  	v3 =	vand.u32 $0x7, v3;
	v4 =	vand.u32 $0xFFFFFFC0, v52  }
0x7d: {  	v3 =	vor.u32 v3, v4  }
0x7e: {  	v4 =	vperm.xlane v3, v0;
	_ =	sdelay $0x1  }
0x7f: {  	v4 =	vadd.s32 v1, v4;
	_ =	sdelay $0x3  }
0x80: {  	s10 =	simm.s32 $0x10100  }
0x81: {  	[tilespmem:s10], [sflag:$0x5] =	stream.indirect_vreg.gather [hbm4b:s2+s3], $0x80, v4, vm0, $0xb8;
	[tilespmem:$0x18100] =	vst v63  }
0x82: {  	v3 =	vperm.xlane v3, v2  }
0x83: {  	[tilespmem:s20], [sflag:$0x5] =	stream.indirect_vreg.gather [hbm4b:s5+s3], $0x80, v4, vm0, $0xb8;
	[tilespmem:$0x18100] =	vst v63  }
0x84: {  	v3 =	vadd.s32 v1, v3  }
0x85: {  	[tilespmem:s31], [sflag:$0x5] =	stream.indirect_vreg.gather [hbm4b:s6+s3], $0x80, v4, vm0, $0xb8;
	[tilespmem:$0x18100] =	vst v63  }
0x86: {  	_ = 	snop  }
0x87: {  	[tilespmem:s14], [sflag:$0x5] =	stream.indirect_vreg.gather [hbm4b:s7+s3], $0x80, v4, vm0, $0xb8;
	[tilespmem:$0x18100] =	vst v63  }
0x88: {  	_ = 	snop  }
0x89: {  	[tilespmem:s15], [sflag:$0x5] =	stream.indirect_vreg.gather [hbm4b:s2+s3], $0x80, v3, vm0, $0xb8;
	[tilespmem:$0x18100] =	vst v63  }
0x8a: {  	s10 =	simm.s32 $0x12900  }
0x8b: {  	[tilespmem:s10], [sflag:$0x5] =	stream.indirect_vreg.gather [hbm4b:s5+s3], $0x80, v3, vm0, $0xb8;
	[tilespmem:$0x18100] =	vst v63  }
0x8c: {  	s12 =	simm.s32 $0x13100  }
0x8d: {  	[tilespmem:s12], [sflag:$0x5] =	stream.indirect_vreg.gather [hbm4b:s6+s3], $0x80, v3, vm0, $0xb8;
	[tilespmem:$0x18100] =	vst v63  }
0x8e: {  	s13 =	simm.s32 $0x13900  }
0x8f: {  	[tilespmem:s13], [sflag:$0x5] =	stream.indirect_vreg.gather [hbm4b:s7+s3], $0x80, v3, vm0, $0xb8;
	[tilespmem:$0x18100] =	vst v63  }
0x90: {  	v3 =	vld [tilespmem:$0x50];
	_ =	sdelay $0x4  }
0x91: {  	v53 =	vshll.u32 v3, $0x3  }
0x92: {  	v3 =	vand.u32 $0x7, v3;
	v4 =	vand.u32 $0xFFFFFFC0, v53  }
0x93: {  	v3 =	vor.u32 v3, v4  }
0x94: {  	v4 =	vperm.xlane v3, v0;
	_ =	sdelay $0x1  }
0x95: {  	v4 =	vadd.s32 v1, v4;
	_ =	sdelay $0x3  }
0x96: {  	s11 =	simm.s32 $0x14100  }
0x97: {  	[tilespmem:s11], [sflag:$0x6] =	stream.indirect_vreg.gather [hbm4b:s2+s3], $0x80, v4, vm0, $0xb8;
	[tilespmem:$0x18100] =	vst v63  }
0x98: {  	v3 =	vperm.xlane v3, v2;
	s11 =	simm.s32 $0x14900  }
0x99: {  	[tilespmem:s11], [sflag:$0x6] =	stream.indirect_vreg.gather [hbm4b:s5+s3], $0x80, v4, vm0, $0xb8;
	[tilespmem:$0x18100] =	vst v63  }
0x9a: {  	v3 =	vadd.s32 v1, v3;
	s11 =	simm.s32 $0x15100  }
0x9b: {  	[tilespmem:s11], [sflag:$0x6] =	stream.indirect_vreg.gather [hbm4b:s6+s3], $0x80, v4, vm0, $0xb8;
	[tilespmem:$0x18100] =	vst v63  }
0x9c: {  	s11 =	simm.s32 $0x15900  }
0x9d: {  	[tilespmem:s11], [sflag:$0x6] =	stream.indirect_vreg.gather [hbm4b:s7+s3], $0x80, v4, vm0, $0xb8;
	[tilespmem:$0x18100] =	vst v63  }
0x9e: {  	_ = 	snop  }
0x9f: {  	[tilespmem:s17], [sflag:$0x6] =	stream.indirect_vreg.gather [hbm4b:s2+s3], $0x80, v3, vm0, $0xb8;
	[tilespmem:$0x18100] =	vst v63  }
0xa0: {  	_ = 	snop  }
0xa1: {  	[tilespmem:s19], [sflag:$0x6] =	stream.indirect_vreg.gather [hbm4b:s5+s3], $0x80, v3, vm0, $0xb8;
	[tilespmem:$0x18100] =	vst v63  }
0xa2: {  	s11 =	simm.s32 $0x17100  }
0xa3: {  	[tilespmem:s11], [sflag:$0x6] =	stream.indirect_vreg.gather [hbm4b:s6+s3], $0x80, v3, vm0, $0xb8;
	[tilespmem:$0x18100] =	vst v63  }
0xa4: {  	s11 =	simm.s32 $0x17900  }
0xa5: {  	[tilespmem:s11], [sflag:$0x6] =	stream.indirect_vreg.gather [hbm4b:s7+s3], $0x80, v3, vm0, $0xb8;
	[tilespmem:$0x18100] =	vst v63  }
0xa6: {  	_ =	swait.ge [sflag:s16], $0x4000  }
0xa7: {  	[sflag:s16] =	ssyncset.done $0x0  }
0xa8: {  	s0 =	rddreg [dreg:$0x16];
	[sflag:s16] =	ssyncadd.s32 $0xFFFFC000  }
0xa9: {  	[hbm4b:s0+s3] =	stream.linear.scatter [tilespmem:s18], [sflag:$0x7], $0x4000, $0x38;
	[tilespmem:$0x18100] =	vst v63  }
0xaa: {  	_ =	swait.ge [sflag:s22], $0x4000  }
0xab: {  	[sflag:s22] =	ssyncset.done $0x0  }
0xac: {  	[sflag:s22] =	ssyncadd.s32 $0xFFFFC000  }
0xad: {  	v3 =	vld [tilespmem:$0x60];
	_ =	sdelay $0x4  }
0xae: {  	v54 =	vshll.u32 v3, $0x3  }
0xaf: {  	v3 =	vand.u32 $0x7, v3;
	v4 =	vand.u32 $0xFFFFFFC0, v54  }
0xb0: {  	v3 =	vor.u32 v3, v4  }
0xb1: {  	v4 =	vperm.xlane v3, v0;
	_ =	sdelay $0x1  }
0xb2: {  	v4 =	vadd.s32 v1, v4;
	_ =	sdelay $0x4  }
0xb3: {  	[tilespmem:s18], [sflag:$0x1] =	stream.indirect_vreg.gather [hbm4b:s2+s3], $0x80, v4, vm0, $0xb8;
	[tilespmem:$0x18100] =	vst v63  }
0xb4: {  	s1 =	simm.s32 $0x900;
	v3 =	vperm.xlane v3, v2  }
0xb5: {  	[tilespmem:s1], [sflag:$0x1] =	stream.indirect_vreg.gather [hbm4b:s5+s3], $0x80, v4, vm0, $0xb8;
	[tilespmem:$0x18100] =	vst v63  }
0xb6: {  	s11 =	simm.s32 $0x1100;
	v3 =	vadd.s32 v1, v3  }
0xb7: {  	[tilespmem:s11], [sflag:$0x1] =	stream.indirect_vreg.gather [hbm4b:s6+s3], $0x80, v4, vm0, $0xb8;
	[tilespmem:$0x18100] =	vst v63  }
0xb8: {  	s1 =	simm.s32 $0x1900  }
0xb9: {  	[tilespmem:s1], [sflag:$0x1] =	stream.indirect_vreg.gather [hbm4b:s7+s3], $0x80, v4, vm0, $0xb8;
	[tilespmem:$0x18100] =	vst v63  }
0xba: {  	s11 =	simm.s32 $0x2100  }
0xbb: {  	[tilespmem:s11], [sflag:$0x1] =	stream.indirect_vreg.gather [hbm4b:s2+s3], $0x80, v3, vm0, $0xb8;
	[tilespmem:$0x18100] =	vst v63  }
0xbc: {  	s1 =	simm.s32 $0x2900  }
0xbd: {  	[tilespmem:s1], [sflag:$0x1] =	stream.indirect_vreg.gather [hbm4b:s5+s3], $0x80, v3, vm0, $0xb8;
	[tilespmem:$0x18100] =	vst v63  }
0xbe: {  	s11 =	simm.s32 $0x3100  }
0xbf: {  	[tilespmem:s11], [sflag:$0x1] =	stream.indirect_vreg.gather [hbm4b:s6+s3], $0x80, v3, vm0, $0xb8;
	[tilespmem:$0x18100] =	vst v63  }
0xc0: {  	s21 =	simm.s32 $0x3900  }
0xc1: {  	[tilespmem:s21], [sflag:$0x1] =	stream.indirect_vreg.gather [hbm4b:s7+s3], $0x80, v3, vm0, $0xb8;
	[tilespmem:$0x18100] =	vst v63  }
0xc2: {  	_ =	swait.ge [sflag:s23], $0x4000  }
0xc3: {  	[sflag:s23] =	ssyncset.done $0x0  }
0xc4: {  	s1 =	rddreg [dreg:$0x5];
	[sflag:s23] =	ssyncadd.s32 $0xFFFFC000  }
0xc5: {  	[hbm4b:s1+s3] =	stream.linear.scatter [tilespmem:s26], [sflag:$0x8], $0x4000, $0x38;
	[tilespmem:$0x18100] =	vst v63  }
0xc6: {  	_ =	swait.ge [sflag:s24], $0x4000  }
0xc7: {  	[sflag:s24] =	ssyncset.done $0x0  }
0xc8: {  	[sflag:s24] =	ssyncadd.s32 $0xFFFFC000  }
0xc9: {  	v3 =	vld [tilespmem:$0x70];
	_ =	sdelay $0x4  }
0xca: {  	v55 =	vshll.u32 v3, $0x3  }
0xcb: {  	v3 =	vand.u32 $0x7, v3;
	v4 =	vand.u32 $0xFFFFFFC0, v55  }
0xcc: {  	v3 =	vor.u32 v3, v4  }
0xcd: {  	v4 =	vperm.xlane v3, v0;
	_ =	sdelay $0x1  }
0xce: {  	v4 =	vadd.s32 v1, v4;
	_ =	sdelay $0x4  }
0xcf: {  	[tilespmem:s26], [sflag:$0x2] =	stream.indirect_vreg.gather [hbm4b:s2+s3], $0x80, v4, vm0, $0xb8;
	[tilespmem:$0x18100] =	vst v63  }
0xd0: {  	s21 =	simm.s32 $0x4900;
	v3 =	vperm.xlane v3, v2  }
0xd1: {  	[tilespmem:s21], [sflag:$0x2] =	stream.indirect_vreg.gather [hbm4b:s5+s3], $0x80, v4, vm0, $0xb8;
	[tilespmem:$0x18100] =	vst v63  }
0xd2: {  	s1 =	simm.s32 $0x5100;
	v3 =	vadd.s32 v1, v3  }
0xd3: {  	[tilespmem:s1], [sflag:$0x2] =	stream.indirect_vreg.gather [hbm4b:s6+s3], $0x80, v4, vm0, $0xb8;
	[tilespmem:$0x18100] =	vst v63  }
0xd4: {  	s11 =	simm.s32 $0x5900  }
0xd5: {  	[tilespmem:s11], [sflag:$0x2] =	stream.indirect_vreg.gather [hbm4b:s7+s3], $0x80, v4, vm0, $0xb8;
	[tilespmem:$0x18100] =	vst v63  }
0xd6: {  	s21 =	simm.s32 $0x6100  }
0xd7: {  	[tilespmem:s21], [sflag:$0x2] =	stream.indirect_vreg.gather [hbm4b:s2+s3], $0x80, v3, vm0, $0xb8;
	[tilespmem:$0x18100] =	vst v63  }
0xd8: {  	s1 =	simm.s32 $0x6900  }
0xd9: {  	[tilespmem:s1], [sflag:$0x2] =	stream.indirect_vreg.gather [hbm4b:s5+s3], $0x80, v3, vm0, $0xb8;
	[tilespmem:$0x18100] =	vst v63  }
0xda: {  	s11 =	simm.s32 $0x7100  }
0xdb: {  	[tilespmem:s11], [sflag:$0x2] =	stream.indirect_vreg.gather [hbm4b:s6+s3], $0x80, v3, vm0, $0xb8;
	[tilespmem:$0x18100] =	vst v63  }
0xdc: {  	s21 =	simm.s32 $0x7900  }
0xdd: {  	[tilespmem:s21], [sflag:$0x2] =	stream.indirect_vreg.gather [hbm4b:s7+s3], $0x80, v3, vm0, $0xb8;
	[tilespmem:$0x18100] =	vst v63  }
0xde: {  	_ =	swait.ge [sflag:s25], $0x4000  }
0xdf: {  	[sflag:s25] =	ssyncset.done $0x0  }
0xe0: {  	s1 =	rddreg [dreg:$0x6];
	[sflag:s25] =	ssyncadd.s32 $0xFFFFC000  }
0xe1: {  	[hbm4b:s1+s3] =	stream.linear.scatter [tilespmem:s4], [sflag:$0x9], $0x4000, $0x38;
	[tilespmem:$0x18100] =	vst v63  }
0xe2: {  	_ =	swait.ge [sflag:s28], $0x4000  }
0xe3: {  	[sflag:s28] =	ssyncset.done $0x0  }
0xe4: {  	[sflag:s28] =	ssyncadd.s32 $0xFFFFC000  }
0xe5: {  	v3 =	vld [tilespmem:$0x80];
	_ =	sdelay $0x4  }
0xe6: {  	v56 =	vshll.u32 v3, $0x3  }
0xe7: {  	v3 =	vand.u32 $0x7, v3;
	v4 =	vand.u32 $0xFFFFFFC0, v56  }
0xe8: {  	v3 =	vor.u32 v3, v4  }
0xe9: {  	v4 =	vperm.xlane v3, v0;
	_ =	sdelay $0x1  }
0xea: {  	v4 =	vadd.s32 v1, v4;
	_ =	sdelay $0x4  }
0xeb: {  	[tilespmem:s4], [sflag:$0x3] =	stream.indirect_vreg.gather [hbm4b:s2+s3], $0x80, v4, vm0, $0xb8;
	[tilespmem:$0x18100] =	vst v63  }
0xec: {  	s21 =	simm.s32 $0x8900;
	v3 =	vperm.xlane v3, v2  }
0xed: {  	[tilespmem:s21], [sflag:$0x3] =	stream.indirect_vreg.gather [hbm4b:s5+s3], $0x80, v4, vm0, $0xb8;
	[tilespmem:$0x18100] =	vst v63  }
0xee: {  	s1 =	simm.s32 $0x9100;
	v3 =	vadd.s32 v1, v3  }
0xef: {  	[tilespmem:s1], [sflag:$0x3] =	stream.indirect_vreg.gather [hbm4b:s6+s3], $0x80, v4, vm0, $0xb8;
	[tilespmem:$0x18100] =	vst v63  }
0xf0: {  	s11 =	simm.s32 $0x9900  }
0xf1: {  	[tilespmem:s11], [sflag:$0x3] =	stream.indirect_vreg.gather [hbm4b:s7+s3], $0x80, v4, vm0, $0xb8;
	[tilespmem:$0x18100] =	vst v63  }
0xf2: {  	s21 =	simm.s32 $0xA100  }
0xf3: {  	[tilespmem:s21], [sflag:$0x3] =	stream.indirect_vreg.gather [hbm4b:s2+s3], $0x80, v3, vm0, $0xb8;
	[tilespmem:$0x18100] =	vst v63  }
0xf4: {  	s1 =	simm.s32 $0xA900  }
0xf5: {  	[tilespmem:s1], [sflag:$0x3] =	stream.indirect_vreg.gather [hbm4b:s5+s3], $0x80, v3, vm0, $0xb8;
	[tilespmem:$0x18100] =	vst v63  }
0xf6: {  	s11 =	simm.s32 $0xB100  }
0xf7: {  	[tilespmem:s11], [sflag:$0x3] =	stream.indirect_vreg.gather [hbm4b:s6+s3], $0x80, v3, vm0, $0xb8;
	[tilespmem:$0x18100] =	vst v63  }
0xf8: {  	s21 =	simm.s32 $0xB900  }
0xf9: {  	[tilespmem:s21], [sflag:$0x3] =	stream.indirect_vreg.gather [hbm4b:s7+s3], $0x80, v3, vm0, $0xb8;
	[tilespmem:$0x18100] =	vst v63  }
0xfa: {  	_ =	swait.ge [sflag:s29], $0x4000  }
0xfb: {  	[sflag:s29] =	ssyncset.done $0x0  }
0xfc: {  	s1 =	rddreg [dreg:$0x7];
	[sflag:s29] =	ssyncadd.s32 $0xFFFFC000  }
0xfd: {  	[hbm4b:s1+s3] =	stream.linear.scatter [tilespmem:s9], [sflag:$0xA], $0x4000, $0x38;
	[tilespmem:$0x18100] =	vst v63  }
0xfe: {  	_ =	swait.ge [sflag:s30], $0x4000  }
0xff: {  	[sflag:s30] =	ssyncset.done $0x0  }
0x100: {  	[sflag:s30] =	ssyncadd.s32 $0xFFFFC000  }
0x101: {  	v3 =	vld [tilespmem:$0x90];
	_ =	sdelay $0x4  }
0x102: {  	v57 =	vshll.u32 v3, $0x3  }
0x103: {  	v3 =	vand.u32 $0x7, v3;
	v4 =	vand.u32 $0xFFFFFFC0, v57  }
0x104: {  	v3 =	vor.u32 v3, v4  }
0x105: {  	v4 =	vperm.xlane v3, v0;
	_ =	sdelay $0x1  }
0x106: {  	v4 =	vadd.s32 v1, v4;
	_ =	sdelay $0x4  }
0x107: {  	[tilespmem:s9], [sflag:$0x4] =	stream.indirect_vreg.gather [hbm4b:s2+s3], $0x80, v4, vm0, $0xb8;
	[tilespmem:$0x18100] =	vst v63  }
0x108: {  	s21 =	simm.s32 $0xC900;
	v3 =	vperm.xlane v3, v2  }
0x109: {  	[tilespmem:s21], [sflag:$0x4] =	stream.indirect_vreg.gather [hbm4b:s5+s3], $0x80, v4, vm0, $0xb8;
	[tilespmem:$0x18100] =	vst v63  }
0x10a: {  	s1 =	simm.s32 $0xD100;
	v3 =	vadd.s32 v1, v3  }
0x10b: {  	[tilespmem:s1], [sflag:$0x4] =	stream.indirect_vreg.gather [hbm4b:s6+s3], $0x80, v4, vm0, $0xb8;
	[tilespmem:$0x18100] =	vst v63  }
0x10c: {  	s11 =	simm.s32 $0xD900  }
0x10d: {  	[tilespmem:s11], [sflag:$0x4] =	stream.indirect_vreg.gather [hbm4b:s7+s3], $0x80, v4, vm0, $0xb8;
	[tilespmem:$0x18100] =	vst v63  }
0x10e: {  	s21 =	simm.s32 $0xE100  }
0x10f: {  	[tilespmem:s21], [sflag:$0x4] =	stream.indirect_vreg.gather [hbm4b:s2+s3], $0x80, v3, vm0, $0xb8;
	[tilespmem:$0x18100] =	vst v63  }
0x110: {  	s1 =	simm.s32 $0xE900  }
0x111: {  	[tilespmem:s1], [sflag:$0x4] =	stream.indirect_vreg.gather [hbm4b:s5+s3], $0x80, v3, vm0, $0xb8;
	[tilespmem:$0x18100] =	vst v63  }
0x112: {  	s11 =	simm.s32 $0xF100  }
0x113: {  	[tilespmem:s11], [sflag:$0x4] =	stream.indirect_vreg.gather [hbm4b:s6+s3], $0x80, v3, vm0, $0xb8;
	[tilespmem:$0x18100] =	vst v63  }
0x114: {  	s0 =	simm.s32 $0x5;
	s21 =	simm.s32 $0xF900  }
0x115: {  	[tilespmem:s21], [sflag:$0x4] =	stream.indirect_vreg.gather [hbm4b:s7+s3], $0x80, v3, vm0, $0xb8;
	[tilespmem:$0x18100] =	vst v63  }
0x116: {  	_ =	swait.ge [sflag:s0], $0x4000  }
0x117: {  	[sflag:s0] =	ssyncset.done $0x0  }
0x118: {  	s21 =	simm.s32 $0x10100;
	s1 =	rddreg [dreg:$0x8];
	[sflag:s0] =	ssyncadd.s32 $0xFFFFC000  }
0x119: {  	[hbm4b:s1+s3] =	stream.linear.scatter [tilespmem:s21], [sflag:$0xB], $0x4000, $0x38;
	[tilespmem:$0x18100] =	vst v63  }
0x11a: {  	s1 =	simm.s32 $0xB  }
0x11b: {  	_ =	swait.ge [sflag:s1], $0x4000  }
0x11c: {  	[sflag:s1] =	ssyncset.done $0x0  }
0x11d: {  	[sflag:s1] =	ssyncadd.s32 $0xFFFFC000  }
0x11e: {  	v3 =	vld [tilespmem:$0xA0];
	_ =	sdelay $0x4  }
0x11f: {  	v58 =	vshll.u32 v3, $0x3  }
0x120: {  	v3 =	vand.u32 $0x7, v3;
	v4 =	vand.u32 $0xFFFFFFC0, v58  }
0x121: {  	v3 =	vor.u32 v3, v4  }
0x122: {  	v4 =	vperm.xlane v3, v0;
	_ =	sdelay $0x1  }
0x123: {  	v4 =	vadd.s32 v1, v4;
	_ =	sdelay $0x4  }
0x124: {  	[tilespmem:s21], [sflag:$0x5] =	stream.indirect_vreg.gather [hbm4b:s2+s3], $0x80, v4, vm0, $0xb8;
	[tilespmem:$0x18100] =	vst v63  }
0x125: {  	v3 =	vperm.xlane v3, v2  }
0x126: {  	[tilespmem:s20], [sflag:$0x5] =	stream.indirect_vreg.gather [hbm4b:s5+s3], $0x80, v4, vm0, $0xb8;
	[tilespmem:$0x18100] =	vst v63  }
0x127: {  	v3 =	vadd.s32 v1, v3  }
0x128: {  	[tilespmem:s31], [sflag:$0x5] =	stream.indirect_vreg.gather [hbm4b:s6+s3], $0x80, v4, vm0, $0xb8;
	[tilespmem:$0x18100] =	vst v63  }
0x129: {  	_ = 	snop  }
0x12a: {  	[tilespmem:s14], [sflag:$0x5] =	stream.indirect_vreg.gather [hbm4b:s7+s3], $0x80, v4, vm0, $0xb8;
	[tilespmem:$0x18100] =	vst v63  }
0x12b: {  	_ = 	snop  }
0x12c: {  	[tilespmem:s15], [sflag:$0x5] =	stream.indirect_vreg.gather [hbm4b:s2+s3], $0x80, v3, vm0, $0xb8;
	[tilespmem:$0x18100] =	vst v63  }
0x12d: {  	_ = 	snop  }
0x12e: {  	[tilespmem:s10], [sflag:$0x5] =	stream.indirect_vreg.gather [hbm4b:s5+s3], $0x80, v3, vm0, $0xb8;
	[tilespmem:$0x18100] =	vst v63  }
0x12f: {  	_ = 	snop  }
0x130: {  	[tilespmem:s12], [sflag:$0x5] =	stream.indirect_vreg.gather [hbm4b:s6+s3], $0x80, v3, vm0, $0xb8;
	[tilespmem:$0x18100] =	vst v63  }
0x131: {  	s10 =	simm.s32 $0x6  }
0x132: {  	[tilespmem:s13], [sflag:$0x5] =	stream.indirect_vreg.gather [hbm4b:s7+s3], $0x80, v3, vm0, $0xb8;
	[tilespmem:$0x18100] =	vst v63  }
0x133: {  	_ =	swait.ge [sflag:s10], $0x4000  }
0x134: {  	[sflag:s10] =	ssyncset.done $0x0  }
0x135: {  	s13 =	simm.s32 $0x14100;
	s12 =	rddreg [dreg:$0x9];
	[sflag:s10] =	ssyncadd.s32 $0xFFFFC000  }
0x136: {  	[hbm4b:s12+s3] =	stream.linear.scatter [tilespmem:s13], [sflag:$0xC], $0x4000, $0x38;
	[tilespmem:$0x18100] =	vst v63  }
0x137: {  	s12 =	simm.s32 $0xC  }
0x138: {  	_ =	swait.ge [sflag:s12], $0x4000  }
0x139: {  	[sflag:s12] =	ssyncset.done $0x0  }
0x13a: {  	[sflag:s12] =	ssyncadd.s32 $0xFFFFC000  }
0x13b: {  	v3 =	vld [tilespmem:$0xB0];
	_ =	sdelay $0x4  }
0x13c: {  	v59 =	vshll.u32 v3, $0x3  }
0x13d: {  	v3 =	vand.u32 $0x7, v3;
	v4 =	vand.u32 $0xFFFFFFC0, v59  }
0x13e: {  	v3 =	vor.u32 v3, v4  }
0x13f: {  	v4 =	vperm.xlane v3, v0;
	_ =	sdelay $0x1  }
0x140: {  	v4 =	vadd.s32 v1, v4;
	_ =	sdelay $0x4  }
0x141: {  	[tilespmem:s13], [sflag:$0x6] =	stream.indirect_vreg.gather [hbm4b:s2+s3], $0x80, v4, vm0, $0xb8;
	[tilespmem:$0x18100] =	vst v63  }
0x142: {  	s11 =	simm.s32 $0x14900;
	v3 =	vperm.xlane v3, v2  }
0x143: {  	[tilespmem:s11], [sflag:$0x6] =	stream.indirect_vreg.gather [hbm4b:s5+s3], $0x80, v4, vm0, $0xb8;
	[tilespmem:$0x18100] =	vst v63  }
0x144: {  	v3 =	vadd.s32 v1, v3;
	s11 =	simm.s32 $0x15100  }
0x145: {  	[tilespmem:s11], [sflag:$0x6] =	stream.indirect_vreg.gather [hbm4b:s6+s3], $0x80, v4, vm0, $0xb8;
	[tilespmem:$0x18100] =	vst v63  }
0x146: {  	s11 =	simm.s32 $0x15900  }
0x147: {  	[tilespmem:s11], [sflag:$0x6] =	stream.indirect_vreg.gather [hbm4b:s7+s3], $0x80, v4, vm0, $0xb8;
	[tilespmem:$0x18100] =	vst v63  }
0x148: {  	_ = 	snop  }
0x149: {  	[tilespmem:s17], [sflag:$0x6] =	stream.indirect_vreg.gather [hbm4b:s2+s3], $0x80, v3, vm0, $0xb8;
	[tilespmem:$0x18100] =	vst v63  }
0x14a: {  	_ = 	snop  }
0x14b: {  	[tilespmem:s19], [sflag:$0x6] =	stream.indirect_vreg.gather [hbm4b:s5+s3], $0x80, v3, vm0, $0xb8;
	[tilespmem:$0x18100] =	vst v63  }
0x14c: {  	s11 =	simm.s32 $0x17100  }
0x14d: {  	[tilespmem:s11], [sflag:$0x6] =	stream.indirect_vreg.gather [hbm4b:s6+s3], $0x80, v3, vm0, $0xb8;
	[tilespmem:$0x18100] =	vst v63  }
0x14e: {  	s11 =	simm.s32 $0x17900  }
0x14f: {  	[tilespmem:s11], [sflag:$0x6] =	stream.indirect_vreg.gather [hbm4b:s7+s3], $0x80, v3, vm0, $0xb8;
	[tilespmem:$0x18100] =	vst v63  }
0x150: {  	_ =	swait.ge [sflag:s16], $0x4000  }
0x151: {  	[sflag:s16] =	ssyncset.done $0x0  }
0x152: {  	s11 =	rddreg [dreg:$0xa];
	[sflag:s16] =	ssyncadd.s32 $0xFFFFC000  }
0x153: {  	[hbm4b:s11+s3] =	stream.linear.scatter [tilespmem:s18], [sflag:$0x7], $0x4000, $0x38;
	[tilespmem:$0x18100] =	vst v63  }
0x154: {  	_ =	swait.ge [sflag:s22], $0x4000  }
0x155: {  	[sflag:s22] =	ssyncset.done $0x0  }
0x156: {  	[sflag:s22] =	ssyncadd.s32 $0xFFFFC000  }
0x157: {  	v3 =	vld [tilespmem:$0xC0];
	_ =	sdelay $0x4  }
0x158: {  	v60 =	vshll.u32 v3, $0x3  }
0x159: {  	v3 =	vand.u32 $0x7, v3;
	v4 =	vand.u32 $0xFFFFFFC0, v60  }
0x15a: {  	v3 =	vor.u32 v3, v4  }
0x15b: {  	v4 =	vperm.xlane v3, v0;
	_ =	sdelay $0x1  }
0x15c: {  	v4 =	vadd.s32 v1, v4;
	_ =	sdelay $0x4  }
0x15d: {  	[tilespmem:s18], [sflag:$0x1] =	stream.indirect_vreg.gather [hbm4b:s2+s3], $0x80, v4, vm0, $0xb8;
	[tilespmem:$0x18100] =	vst v63  }
0x15e: {  	s11 =	simm.s32 $0x900;
	v3 =	vperm.xlane v3, v2  }
0x15f: {  	[tilespmem:s11], [sflag:$0x1] =	stream.indirect_vreg.gather [hbm4b:s5+s3], $0x80, v4, vm0, $0xb8;
	[tilespmem:$0x18100] =	vst v63  }
0x160: {  	v3 =	vadd.s32 v1, v3;
	s11 =	simm.s32 $0x1100  }
0x161: {  	[tilespmem:s11], [sflag:$0x1] =	stream.indirect_vreg.gather [hbm4b:s6+s3], $0x80, v4, vm0, $0xb8;
	[tilespmem:$0x18100] =	vst v63  }
0x162: {  	s11 =	simm.s32 $0x1900  }
0x163: {  	[tilespmem:s11], [sflag:$0x1] =	stream.indirect_vreg.gather [hbm4b:s7+s3], $0x80, v4, vm0, $0xb8;
	[tilespmem:$0x18100] =	vst v63  }
0x164: {  	s11 =	simm.s32 $0x2100  }
0x165: {  	[tilespmem:s11], [sflag:$0x1] =	stream.indirect_vreg.gather [hbm4b:s2+s3], $0x80, v3, vm0, $0xb8;
	[tilespmem:$0x18100] =	vst v63  }
0x166: {  	s11 =	simm.s32 $0x2900  }
0x167: {  	[tilespmem:s11], [sflag:$0x1] =	stream.indirect_vreg.gather [hbm4b:s5+s3], $0x80, v3, vm0, $0xb8;
	[tilespmem:$0x18100] =	vst v63  }
0x168: {  	s11 =	simm.s32 $0x3100  }
0x169: {  	[tilespmem:s11], [sflag:$0x1] =	stream.indirect_vreg.gather [hbm4b:s6+s3], $0x80, v3, vm0, $0xb8;
	[tilespmem:$0x18100] =	vst v63  }
0x16a: {  	s11 =	simm.s32 $0x3900  }
0x16b: {  	[tilespmem:s11], [sflag:$0x1] =	stream.indirect_vreg.gather [hbm4b:s7+s3], $0x80, v3, vm0, $0xb8;
	[tilespmem:$0x18100] =	vst v63  }
0x16c: {  	_ =	swait.ge [sflag:s23], $0x4000  }
0x16d: {  	[sflag:s23] =	ssyncset.done $0x0  }
0x16e: {  	s11 =	rddreg [dreg:$0xb];
	[sflag:s23] =	ssyncadd.s32 $0xFFFFC000  }
0x16f: {  	[hbm4b:s11+s3] =	stream.linear.scatter [tilespmem:s26], [sflag:$0x8], $0x4000, $0x38;
	[tilespmem:$0x18100] =	vst v63  }
0x170: {  	_ =	swait.ge [sflag:s24], $0x4000  }
0x171: {  	[sflag:s24] =	ssyncset.done $0x0  }
0x172: {  	[sflag:s24] =	ssyncadd.s32 $0xFFFFC000  }
0x173: {  	v3 =	vld [tilespmem:$0xD0];
	_ =	sdelay $0x4  }
0x174: {  	v61 =	vshll.u32 v3, $0x3  }
0x175: {  	v3 =	vand.u32 $0x7, v3;
	v4 =	vand.u32 $0xFFFFFFC0, v61  }
0x176: {  	v3 =	vor.u32 v3, v4  }
0x177: {  	v4 =	vperm.xlane v3, v0;
	_ =	sdelay $0x1  }
0x178: {  	v4 =	vadd.s32 v1, v4;
	_ =	sdelay $0x4  }
0x179: {  	[tilespmem:s26], [sflag:$0x2] =	stream.indirect_vreg.gather [hbm4b:s2+s3], $0x80, v4, vm0, $0xb8;
	[tilespmem:$0x18100] =	vst v63  }
0x17a: {  	s11 =	simm.s32 $0x4900;
	v3 =	vperm.xlane v3, v2  }
0x17b: {  	[tilespmem:s11], [sflag:$0x2] =	stream.indirect_vreg.gather [hbm4b:s5+s3], $0x80, v4, vm0, $0xb8;
	[tilespmem:$0x18100] =	vst v63  }
0x17c: {  	v3 =	vadd.s32 v1, v3;
	s11 =	simm.s32 $0x5100  }
0x17d: {  	[tilespmem:s11], [sflag:$0x2] =	stream.indirect_vreg.gather [hbm4b:s6+s3], $0x80, v4, vm0, $0xb8;
	[tilespmem:$0x18100] =	vst v63  }
0x17e: {  	s11 =	simm.s32 $0x5900  }
0x17f: {  	[tilespmem:s11], [sflag:$0x2] =	stream.indirect_vreg.gather [hbm4b:s7+s3], $0x80, v4, vm0, $0xb8;
	[tilespmem:$0x18100] =	vst v63  }
0x180: {  	s11 =	simm.s32 $0x6100  }
0x181: {  	[tilespmem:s11], [sflag:$0x2] =	stream.indirect_vreg.gather [hbm4b:s2+s3], $0x80, v3, vm0, $0xb8;
	[tilespmem:$0x18100] =	vst v63  }
0x182: {  	s11 =	simm.s32 $0x6900  }
0x183: {  	[tilespmem:s11], [sflag:$0x2] =	stream.indirect_vreg.gather [hbm4b:s5+s3], $0x80, v3, vm0, $0xb8;
	[tilespmem:$0x18100] =	vst v63  }
0x184: {  	s11 =	simm.s32 $0x7100  }
0x185: {  	[tilespmem:s11], [sflag:$0x2] =	stream.indirect_vreg.gather [hbm4b:s6+s3], $0x80, v3, vm0, $0xb8;
	[tilespmem:$0x18100] =	vst v63  }
0x186: {  	s11 =	simm.s32 $0x7900  }
0x187: {  	[tilespmem:s11], [sflag:$0x2] =	stream.indirect_vreg.gather [hbm4b:s7+s3], $0x80, v3, vm0, $0xb8;
	[tilespmem:$0x18100] =	vst v63  }
0x188: {  	_ =	swait.ge [sflag:s25], $0x4000  }
0x189: {  	[sflag:s25] =	ssyncset.done $0x0  }
0x18a: {  	s11 =	rddreg [dreg:$0xc];
	[sflag:s25] =	ssyncadd.s32 $0xFFFFC000  }
0x18b: {  	[hbm4b:s11+s3] =	stream.linear.scatter [tilespmem:s4], [sflag:$0x9], $0x4000, $0x38;
	[tilespmem:$0x18100] =	vst v63  }
0x18c: {  	_ =	swait.ge [sflag:s28], $0x4000  }
0x18d: {  	[sflag:s28] =	ssyncset.done $0x0  }
0x18e: {  	[sflag:s28] =	ssyncadd.s32 $0xFFFFC000  }
0x18f: {  	v3 =	vld [tilespmem:$0xE0];
	_ =	sdelay $0x4  }
0x190: {  	v62 =	vshll.u32 v3, $0x3  }
0x191: {  	v3 =	vand.u32 $0x7, v3;
	v4 =	vand.u32 $0xFFFFFFC0, v62  }
0x192: {  	v3 =	vor.u32 v3, v4  }
0x193: {  	v4 =	vperm.xlane v3, v0;
	_ =	sdelay $0x1  }
0x194: {  	v4 =	vadd.s32 v1, v4;
	_ =	sdelay $0x4  }
0x195: {  	[tilespmem:s4], [sflag:$0x3] =	stream.indirect_vreg.gather [hbm4b:s2+s3], $0x80, v4, vm0, $0xb8;
	[tilespmem:$0x18100] =	vst v63  }
0x196: {  	s11 =	simm.s32 $0x8900;
	v3 =	vperm.xlane v3, v2  }
0x197: {  	[tilespmem:s11], [sflag:$0x3] =	stream.indirect_vreg.gather [hbm4b:s5+s3], $0x80, v4, vm0, $0xb8;
	[tilespmem:$0x18100] =	vst v63  }
0x198: {  	v3 =	vadd.s32 v1, v3;
	s11 =	simm.s32 $0x9100  }
0x199: {  	[tilespmem:s11], [sflag:$0x3] =	stream.indirect_vreg.gather [hbm4b:s6+s3], $0x80, v4, vm0, $0xb8;
	[tilespmem:$0x18100] =	vst v63  }
0x19a: {  	s11 =	simm.s32 $0x9900  }
0x19b: {  	[tilespmem:s11], [sflag:$0x3] =	stream.indirect_vreg.gather [hbm4b:s7+s3], $0x80, v4, vm0, $0xb8;
	[tilespmem:$0x18100] =	vst v63  }
0x19c: {  	s11 =	simm.s32 $0xA100  }
0x19d: {  	[tilespmem:s11], [sflag:$0x3] =	stream.indirect_vreg.gather [hbm4b:s2+s3], $0x80, v3, vm0, $0xb8;
	[tilespmem:$0x18100] =	vst v63  }
0x19e: {  	s11 =	simm.s32 $0xA900  }
0x19f: {  	[tilespmem:s11], [sflag:$0x3] =	stream.indirect_vreg.gather [hbm4b:s5+s3], $0x80, v3, vm0, $0xb8;
	[tilespmem:$0x18100] =	vst v63  }
0x1a0: {  	s11 =	simm.s32 $0xB100  }
0x1a1: {  	[tilespmem:s11], [sflag:$0x3] =	stream.indirect_vreg.gather [hbm4b:s6+s3], $0x80, v3, vm0, $0xb8;
	[tilespmem:$0x18100] =	vst v63  }
0x1a2: {  	s11 =	simm.s32 $0xB900  }
0x1a3: {  	[tilespmem:s11], [sflag:$0x3] =	stream.indirect_vreg.gather [hbm4b:s7+s3], $0x80, v3, vm0, $0xb8;
	[tilespmem:$0x18100] =	vst v63  }
0x1a4: {  	_ =	swait.ge [sflag:s29], $0x4000  }
0x1a5: {  	[sflag:s29] =	ssyncset.done $0x0  }
0x1a6: {  	s11 =	rddreg [dreg:$0xd];
	[sflag:s29] =	ssyncadd.s32 $0xFFFFC000  }
0x1a7: {  	[hbm4b:s11+s3] =	stream.linear.scatter [tilespmem:s9], [sflag:$0xA], $0x4000, $0x38;
	[tilespmem:$0x18100] =	vst v63  }
0x1a8: {  	_ =	swait.ge [sflag:s30], $0x4000  }
0x1a9: {  	[sflag:s30] =	ssyncset.done $0x0  }
0x1aa: {  	[sflag:s30] =	ssyncadd.s32 $0xFFFFC000  }
0x1ab: {  	v3 =	vld [tilespmem:$0xF0];
	_ =	sdelay $0x4  }
0x1ac: {  	v63 =	vshll.u32 v3, $0x3  }
0x1ad: {  	v3 =	vand.u32 $0x7, v3;
	v4 =	vand.u32 $0xFFFFFFC0, v63  }
0x1ae: {  	v3 =	vor.u32 v3, v4  }
0x1af: {  	v4 =	vperm.xlane v3, v0;
	_ =	sdelay $0x1  }
0x1b0: {  	v4 =	vadd.s32 v1, v4;
	_ =	sdelay $0x4  }
0x1b1: {  	[tilespmem:s9], [sflag:$0x4] =	stream.indirect_vreg.gather [hbm4b:s2+s3], $0x80, v4, vm0, $0xb8;
	[tilespmem:$0x18100] =	vst v63  }
0x1b2: {  	s11 =	simm.s32 $0xC900;
	v3 =	vperm.xlane v3, v2  }
0x1b3: {  	[tilespmem:s11], [sflag:$0x4] =	stream.indirect_vreg.gather [hbm4b:s5+s3], $0x80, v4, vm0, $0xb8;
	[tilespmem:$0x18100] =	vst v63  }
0x1b4: {  	v3 =	vadd.s32 v1, v3;
	s11 =	simm.s32 $0xD100  }
0x1b5: {  	[tilespmem:s11], [sflag:$0x4] =	stream.indirect_vreg.gather [hbm4b:s6+s3], $0x80, v4, vm0, $0xb8;
	[tilespmem:$0x18100] =	vst v63  }
0x1b6: {  	s11 =	simm.s32 $0xD900  }
0x1b7: {  	[tilespmem:s11], [sflag:$0x4] =	stream.indirect_vreg.gather [hbm4b:s7+s3], $0x80, v4, vm0, $0xb8;
	[tilespmem:$0x18100] =	vst v63  }
0x1b8: {  	s11 =	simm.s32 $0xE100  }
0x1b9: {  	[tilespmem:s11], [sflag:$0x4] =	stream.indirect_vreg.gather [hbm4b:s2+s3], $0x80, v3, vm0, $0xb8;
	[tilespmem:$0x18100] =	vst v63  }
0x1ba: {  	s11 =	simm.s32 $0xE900  }
0x1bb: {  	[tilespmem:s11], [sflag:$0x4] =	stream.indirect_vreg.gather [hbm4b:s5+s3], $0x80, v3, vm0, $0xb8;
	[tilespmem:$0x18100] =	vst v63  }
0x1bc: {  	s11 =	simm.s32 $0xF100  }
0x1bd: {  	[tilespmem:s11], [sflag:$0x4] =	stream.indirect_vreg.gather [hbm4b:s6+s3], $0x80, v3, vm0, $0xb8;
	[tilespmem:$0x18100] =	vst v63  }
0x1be: {  	s11 =	simm.s32 $0xF900  }
0x1bf: {  	[tilespmem:s11], [sflag:$0x4] =	stream.indirect_vreg.gather [hbm4b:s7+s3], $0x80, v3, vm0, $0xb8;
	[tilespmem:$0x18100] =	vst v63  }
0x1c0: {  	_ =	swait.ge [sflag:s0], $0x4000  }
0x1c1: {  	[sflag:s0] =	ssyncset.done $0x0  }
0x1c2: {  	s21 =	simm.s32 $0x10100;
	s11 =	rddreg [dreg:$0xe];
	[sflag:s0] =	ssyncadd.s32 $0xFFFFC000  }
0x1c3: {  	[hbm4b:s11+s3] =	stream.linear.scatter [tilespmem:s21], [sflag:$0xB], $0x4000, $0x38;
	[tilespmem:$0x18100] =	vst v63  }
0x1c4: {  	_ =	swait.ge [sflag:s10], $0x4000  }
0x1c5: {  	[sflag:s10] =	ssyncset.done $0x0  }
0x1c6: {  	s13 =	simm.s32 $0x14100;
	s21 =	rddreg [dreg:$0xf];
	[sflag:s10] =	ssyncadd.s32 $0xFFFFC000  }
0x1c7: {  	[hbm4b:s21+s3] =	stream.linear.scatter [tilespmem:s13], [sflag:$0xC], $0x4000, $0x38;
	[tilespmem:$0x18100] =	vst v63  }
0x1c8: {  	_ =	swait.ge [sflag:s16], $0x4000  }
0x1c9: {  	[sflag:s16] =	ssyncset.done $0x0  }
0x1ca: {  	s0 =	rddreg [dreg:$0x10];
	[sflag:s16] =	ssyncadd.s32 $0xFFFFC000  }
0x1cb: {  	[hbm4b:s0+s3] =	stream.linear.scatter [tilespmem:s18], [sflag:$0x7], $0x4000, $0x38;
	[tilespmem:$0x18100] =	vst v63  }
0x1cc: {  	_ =	swait.ge [sflag:s23], $0x4000  }
0x1cd: {  	[sflag:s23] =	ssyncset.done $0x0  }
0x1ce: {  	s10 =	rddreg [dreg:$0x11];
	[sflag:s23] =	ssyncadd.s32 $0xFFFFC000  }
0x1cf: {  	[hbm4b:s10+s3] =	stream.linear.scatter [tilespmem:s26], [sflag:$0x8], $0x4000, $0x38;
	[tilespmem:$0x18100] =	vst v63  }
0x1d0: {  	_ =	swait.ge [sflag:s25], $0x4000  }
0x1d1: {  	[sflag:s25] =	ssyncset.done $0x0  }
0x1d2: {  	s13 =	rddreg [dreg:$0x12];
	[sflag:s25] =	ssyncadd.s32 $0xFFFFC000  }
0x1d3: {  	[hbm4b:s13+s3] =	stream.linear.scatter [tilespmem:s4], [sflag:$0x9], $0x4000, $0x38;
	[tilespmem:$0x18100] =	vst v63  }
0x1d4: {  	_ =	swait.ge [sflag:s29], $0x4000  }
0x1d5: {  	[sflag:s29] =	ssyncset.done $0x0  }
0x1d6: {  	s21 =	rddreg [dreg:$0x13];
	[sflag:s29] =	ssyncadd.s32 $0xFFFFC000  }
0x1d7: {  	[hbm4b:s21+s3] =	stream.linear.scatter [tilespmem:s9], [sflag:$0xA], $0x4000, $0x38;
	[tilespmem:$0x18100] =	vst v63  }
0x1d8: {  	_ =	swait.ge [sflag:s22], $0x4000  }
0x1d9: {  	[sflag:s22] =	ssyncset.done $0x0  }
0x1da: {  	[sflag:s22] =	ssyncadd.s32 $0xFFFFC000  }
0x1db: {  	_ =	swait.ge [sflag:s24], $0x4000  }
0x1dc: {  	[sflag:s24] =	ssyncset.done $0x0  }
0x1dd: {  	[sflag:s24] =	ssyncadd.s32 $0xFFFFC000  }
0x1de: {  	_ =	swait.ge [sflag:s28], $0x4000  }
0x1df: {  	[sflag:s28] =	ssyncset.done $0x0  }
0x1e0: {  	[sflag:s28] =	ssyncadd.s32 $0xFFFFC000  }
0x1e1: {  	_ =	swait.ge [sflag:s30], $0x4000  }
0x1e2: {  	[sflag:s30] =	ssyncset.done $0x0  }
0x1e3: {  	[sflag:s30] =	ssyncadd.s32 $0xFFFFC000  }
0x1e4: {  	p0 =	sne.s32 s8, $0x1;
	_ =	swait.ge [sflag:s1], $0x4000  }
.Ltmp0:
0x1e5: {  	[sflag:s1] =	ssyncset.done $0x0;
	(pc) =	sbr.rel @p0 .LBB2_1-.Ltmp0, $4  }
0x1e6: {  	[sflag:s1] =	ssyncadd.s32 $0xFFFFC000  }
0x1e7: {  	_ =	swait.ge [sflag:s12], $0x4000  }
0x1e8: {  	[sflag:s12] =	ssyncset.done $0x0  }
0x1e9: {  	s8 =	sadd.s32 $0xFFFFFFFF, s8;
	[sflag:s12] =	ssyncadd.s32 $0xFFFFC000  }
0x1ea: {  	_ =	sfence.sel $0x180000  }
0x1eb: {  	[bflag:$0x0] =	sbarrier.arrive $0xFFFF  }
0x1ec: {  	_ =	strace $0x90000047  }
0x1ed: {  	s0 =	stileid.u32;
	[bflag:$0x2] =	sbarrier.arrive $0xFFFF  }
0x1ee: {  	p0 =	sne.s32 s0, $0x0;
	s0 =	rddreg [dreg:$0x3]  }
0x1ef: {  	s0 =	sadd.s32 @!p0 $0x100000, s0  }
0x1f0: {  	[sflag:s0] =	ssyncadd.tile.s32 @!p0 $0x1;
	_ =	shalt  }
.Lfunc_end2:
_tile_overlayer_lowered:
.L_overlay_start_2:
0x1f1: {  	(tag) =	ssettag $0x2  }
0x1f2: {  	s0 =	rddreg [dreg:$0x0];
	s2 =	stileid.u32  }
0x1f3: {  	s1 =	rddreg [dreg:$0x1];
	p0 =	sne.s32 s2, $0x0  }
0x1f4: {  	s3 =	rddreg [dreg:$0x2];
	[bflag:$0x3] =	sbarrier.arrive $0xFFFF;
	s2 =	simm.s32 @!p0 $0x1C0D  }
0x1f5: {  	[timem:s3], [sflag:s2] =	dma.local @!p0 [hbm:s0], s1  }
0x1f6: {  	s0 =	simm.s32 @!p0 $0xD  }
0x1f7: {  	_ =	swait.ge @!p0 [sflag:s0], s1  }
0x1f8: {  	s1 =	ssub.s32 @!p0 $0x0, s1;
	[sflag:s0] =	ssyncset.done @!p0 $0x0  }
0x1f9: {  	[sflag:s0] =	ssyncadd.s32 @!p0 s1  }
0x1fa: {  	[bflag:$0x3] =	sbarrier.arrive $0xFFFF  }
0x1fb: {  	_ =	shalt  }

</sc_bundles>
